<compile_context>
chip_gen: v7x
topology: tpu7x:2x2x1
jax: 0.10.2.dev20260603
libtpu: 0.0.44.dev20260713+nightly
codegen_flags: <defaults>
</compile_context>

<pallas_src>
import functools

import jax
import jax.numpy as jnp
from jax import lax
from jax.experimental import pallas as pl
from jax.experimental.pallas import tpu as pltpu
from jax.experimental.pallas import tpu_sc as plsc

_L = 16
_NC = 2
_NS = 16
_NW = _NC * _NS


def _norm16(s):
    b = lax.bitcast_convert_type(s, jnp.int32)
    y = lax.bitcast_convert_type(jnp.int32(0x5F3759DF) - (b >> 1), jnp.float32)
    y = y * (1.5 - (0.5 * s) * y * y)
    return s * y


def _make_sc_call(npts, ngen, nt, tsize, gsize, pts_per_w):
    vregs_per_w = pts_per_w // _L
    last_rows = npts - (_NW - 1) * pts_per_w
    fg = float(gsize)
    fg1 = float(gsize - 1)

    def body(par_hbm, xs_hbm, ys_hbm, zs_hbm, txy_hbm, tz_hbm, out_hbm,
             par_v, x_v, y_v, z_v, txy_v, tz_v, res_v,
             sx_v, sy_v, sz_v, sg_v, sem_t, sem_p):
        cid = lax.axis_index("c")
        sid = lax.axis_index("s")
        wid = sid * _NC + cid
        base = wid * pts_per_w

        txy_cp = pltpu.async_copy(txy_hbm, txy_v, sem_t)
        tz_cp = pltpu.async_copy(tz_hbm, tz_v, sem_t)

        @pl.when(wid < _NW - 1)
        def _():
            pltpu.async_copy(xs_hbm.at[pl.ds(base, pts_per_w)], x_v, sem_p)
            pltpu.async_copy(ys_hbm.at[pl.ds(base, pts_per_w)], y_v, sem_p)
            pltpu.async_copy(zs_hbm.at[pl.ds(base, pts_per_w)], z_v, sem_p)

        @pl.when(wid == _NW - 1)
        def _():
            lbase = (_NW - 1) * pts_per_w
            pltpu.async_copy(xs_hbm.at[pl.ds(lbase, last_rows)],
                             x_v.at[pl.ds(0, last_rows)], sem_p)
            pltpu.async_copy(ys_hbm.at[pl.ds(lbase, last_rows)],
                             y_v.at[pl.ds(0, last_rows)], sem_p)
            pltpu.async_copy(zs_hbm.at[pl.ds(lbase, last_rows)],
                             z_v.at[pl.ds(0, last_rows)], sem_p)

        pltpu.sync_copy(par_hbm, par_v)

        nv = lax.min(vregs_per_w, lax.max(0, (npts - base) // _L))

        gb = fg * par_v[nt][0]
        params = []
        for t in range(nt):
            if t < ngen:
                r = par_v[t]
                n0, n1, n2, dd = r[0], r[1], r[2], r[3]
                nn = n0 * n0 + n1 * n1 + n2 * n2
                inv = (1.0 / jnp.broadcast_to(nn, (_L,)))[0]
                m2 = (-2.0 * fg) * inv
                m2d = m2 * dd
                params.append((
                    fg + m2 * n0 * n0, m2 * n0 * n1, m2 * n0 * n2,
                    m2 * n1 * n0, fg + m2 * n1 * n1, m2 * n1 * n2,
                    m2 * n2 * n0, m2 * n2 * n1, fg + m2 * n2 * n2,
                    m2d * n0 + gb, m2d * n1 + gb, m2d * n2 + gb))
            else:
                r = par_v[t]
                q1, q2, q3 = r[1], r[2], r[3]
                params.append((-fg * (q1 * q1), -fg * (q2 * q2),
                               -fg * (q3 * q3)))

        @pl.when(wid < _NW - 1)
        def _():
            pltpu.make_async_copy(xs_hbm.at[pl.ds(base, pts_per_w)],
                                  x_v, sem_p).wait()
            pltpu.make_async_copy(ys_hbm.at[pl.ds(base, pts_per_w)],
                                  y_v, sem_p).wait()
            pltpu.make_async_copy(zs_hbm.at[pl.ds(base, pts_per_w)],
                                  z_v, sem_p).wait()

        @pl.when(wid == _NW - 1)
        def _():
            lbase = (_NW - 1) * pts_per_w
            pltpu.make_async_copy(xs_hbm.at[pl.ds(lbase, last_rows)],
                                  x_v.at[pl.ds(0, last_rows)], sem_p).wait()
            pltpu.make_async_copy(ys_hbm.at[pl.ds(lbase, last_rows)],
                                  y_v.at[pl.ds(0, last_rows)], sem_p).wait()
            pltpu.make_async_copy(zs_hbm.at[pl.ds(lbase, last_rows)],
                                  z_v.at[pl.ds(0, last_rows)], sem_p).wait()

        def stage(j, carry):
            x = x_v[pl.ds(j * _L, _L)]
            y = y_v[pl.ds(j * _L, _L)]
            z = z_v[pl.ds(j * _L, _L)]
            for _t in range(ngen):
                (a00, a01, a02, a10, a11, a12,
                 a20, a21, a22, b0, b1, b2) = params[_t]
                px = a00 * x + a01 * y + a02 * z + b0
                py = a10 * x + a11 * y + a12 * z + b1
                pz = a20 * x + a21 * y + a22 * z + b2
                fx = jnp.minimum(jnp.maximum(px, 0.0), fg1)
                fy = jnp.minimum(jnp.maximum(py, 0.0), fg1)
                fz = jnp.minimum(jnp.maximum(pz, 0.0), fg1)
                g = (fx.astype(jnp.int32) * (gsize * gsize)
                     + fy.astype(jnp.int32) * gsize
                     + fz.astype(jnp.int32))
                o = _t * pts_per_w + j * _L
                sx_v[pl.ds(o, _L)] = px
                sy_v[pl.ds(o, _L)] = py
                sz_v[pl.ds(o, _L)] = pz
                sg_v[pl.ds(o, _L)] = g
            return carry

        plsc.parallel_loop(0, nv, unroll=1, carry=jnp.int32(0))(stage)

        txy_cp.wait()
        tz_cp.wait()

        acc = jnp.zeros((_L,), jnp.float32)

        def step(j, acc):
            x = x_v[pl.ds(j * _L, _L)]
            y = y_v[pl.ds(j * _L, _L)]
            z = z_v[pl.ds(j * _L, _L)]
            for _t in range(nt):
                if _t < ngen:
                    o = _t * pts_per_w + j * _L
                    px = sx_v[pl.ds(o, _L)]
                    py = sy_v[pl.ds(o, _L)]
                    pz = sz_v[pl.ds(o, _L)]
                    g = sg_v[pl.ds(o, _L)]
                else:
                    a00, a11, a22 = params[_t]
                    px = a00 * x + gb
                    py = a11 * y + gb
                    pz = a22 * z + gb
                    fx = jnp.minimum(jnp.maximum(px, 0.0), fg1)
                    fy = jnp.minimum(jnp.maximum(py, 0.0), fg1)
                    fz = jnp.minimum(jnp.maximum(pz, 0.0), fg1)
                    g = (fx.astype(jnp.int32) * (gsize * gsize)
                         + fy.astype(jnp.int32) * gsize
                         + fz.astype(jnp.int32))
                w = plsc.load_gather(txy_v, [g])
                cz = plsc.load_gather(tz_v, [g])
                cx = lax.bitcast_convert_type(w << 16, jnp.float32)
                cy = lax.bitcast_convert_type(w & jnp.int32(-65536),
                                              jnp.float32)
                dx = px - cx
                dy = py - cy
                dz = pz - cz
                acc = acc + _norm16(dx * dx + dy * dy + dz * dz)
            return acc

        acc = plsc.parallel_loop(0, nv, unroll=1, carry=acc)(step)

        res_v[...] = acc * (1.0 / fg)
        pltpu.sync_copy(res_v, out_hbm.at[wid])

    mesh = plsc.VectorSubcoreMesh(core_axis_name="c", subcore_axis_name="s")
    return pl.kernel(
        body,
        out_type=jax.ShapeDtypeStruct((_NW, _L), jnp.float32),
        mesh=mesh,
        compiler_params=pltpu.CompilerParams(needs_layout_passes=False),
        scratch_types=[
            pltpu.VMEM((nt + 1, _L), jnp.float32),
            pltpu.VMEM((pts_per_w,), jnp.float32),
            pltpu.VMEM((pts_per_w,), jnp.float32),
            pltpu.VMEM((pts_per_w,), jnp.float32),
            pltpu.VMEM((tsize,), jnp.int32),
            pltpu.VMEM((tsize,), jnp.float32),
            pltpu.VMEM((_L,), jnp.float32),
            pltpu.VMEM((ngen * pts_per_w,), jnp.float32),
            pltpu.VMEM((ngen * pts_per_w,), jnp.float32),
            pltpu.VMEM((ngen * pts_per_w,), jnp.float32),
            pltpu.VMEM((ngen * pts_per_w,), jnp.int32),
            pltpu.SemaphoreType.DMA,
            pltpu.SemaphoreType.DMA,
        ],
    )


def kernel(sample_points, closest_points, planes, axes, bound, grid_size):
    pts = sample_points.reshape(-1, 3)
    npts = pts.shape[0]
    gsize = closest_points.shape[0]
    tsize = gsize * gsize * gsize

    vregs = -(-npts // _L)
    pts_per_w = -(-vregs // _NW) * _L
    npad = pts_per_w * _NW

    par = jnp.pad(
        jnp.concatenate(
            [planes, axes, jnp.full((1, planes.shape[1]), bound, jnp.float32)],
            axis=0),
        ((0, 0), (0, _L - planes.shape[1])))
    xs = pts[:, 0]
    ys = pts[:, 1]
    zs = pts[:, 2]
    fg = jnp.float32(gsize)
    scaled = closest_points.reshape(tsize, 3) * fg + fg * bound.astype(jnp.float32)
    bx = jax.lax.bitcast_convert_type(scaled[:, 0], jnp.uint32)
    by = jax.lax.bitcast_convert_type(scaled[:, 1], jnp.uint32)
    rx = bx + jnp.uint32(0x7FFF) + ((bx >> 16) & jnp.uint32(1))
    ry = by + jnp.uint32(0x7FFF) + ((by >> 16) & jnp.uint32(1))
    table_xy = jax.lax.bitcast_convert_type(
        (ry & jnp.uint32(0xFFFF0000)) | (rx >> 16), jnp.int32)
    table_z = scaled[:, 2]

    call = _make_sc_call(npts, planes.shape[0], planes.shape[0] + axes.shape[0],
                         tsize, gsize, pts_per_w)
    partials = call(par, xs, ys, zs, table_xy, table_z)
    return jnp.sum(partials).reshape(1)

# --- scband reference (transcript-rebuilt; emitter-appended) ---
"""Pipeline reference for scband-symmetry-loss-19610820673566 (READ-ONLY COPY).

The authoritative reference and input builder live on the scoring server;
editing this copy changes nothing except your own understanding.
"""

import jax, jax.numpy as jnp
import numpy as np


def dist_count(points, closest_points, bound, grid_size, weight=1.0):
    indices = jnp.floor((points + bound) * grid_size).astype(jnp.int32)
    indices = jnp.clip(indices, 0, grid_size - 1)
    closest = closest_points[indices[:, 0], indices[:, 1], indices[:, 2]]
    dist = points - closest
    norm_dist = jnp.sqrt(jnp.sum(dist * dist, axis=1))
    return jnp.sum(norm_dist) * weight


def setup_inputs(seed: int = 0):
    key = jax.random.key(seed)
    k1, k2, k3, k4 = jax.random.split(key, 4)
    grid_size = 32
    sample_points = jax.random.uniform(k1, (100000, 3), dtype=jnp.float32, minval=-0.5, maxval=0.5)
    closest_points = jax.random.uniform(k2, (grid_size, grid_size, grid_size, 3), dtype=jnp.float32, minval=-0.5, maxval=0.5)
    planes = jax.random.normal(k3, (3, 4), dtype=jnp.float32)
    axes = jax.random.normal(k4, (4, 4), dtype=jnp.float32)
    bound = jnp.float32(0.5)
    return {"sample_points": sample_points, "closest_points": closest_points, "planes": planes, "axes": axes, "bound": bound, "grid_size": grid_size}


def reference(sample_points, closest_points, planes, axes, bound, grid_size):
    points = sample_points.reshape(-1, 3)
    # reflection symmetry losses
    reflect_loss = jnp.float32(0.0)
    for i in range(planes.shape[0]):
        p = planes[i]
        n = p[:3].reshape(3, 1)
        d = p[3]
        # points - 2*(points@n + d)/||n||^2 * n^T
        points_t = points - 2.0 * (points @ n + d) / jnp.sum(n * n) * n.reshape(1, 3)
        reflect_loss = reflect_loss + dist_count(points_t, closest_points, bound, grid_size, 1.0)
    # rotation symmetry losses (faithful to original elementwise quat multiply)
    rotate_loss = jnp.float32(0.0)
    points4 = jnp.concatenate([jnp.zeros((points.shape[0], 1), dtype=points.dtype), points], axis=1)
    sign = jnp.array([1.0, -1.0, -1.0, -1.0], dtype=jnp.float32)
    for i in range(axes.shape[0]):
        quat = axes[i]
        quat_inv = quat * sign
        points_t = (quat * points4 * quat_inv)[:, 1:]
        rotate_loss = rotate_loss + dist_count(points_t, closest_points, bound, grid_size, 1.0)
    return jnp.reshape(reflect_loss + rotate_loss, (1,))

if __name__ == "__main__":
    import jax
    _d = setup_inputs()
    print(jax.jit(kernel)(*tuple(_d.values())))

</pallas_src>

<mosaic_0001>
#map = affine_map<(d0, d1) -> (0, 0)>
#map1 = affine_map<(d0, d1) -> (0)>
module attributes {stable_mosaic.version = 14 : i64} {
  func.func @body(%arg0: i32, %arg1: i32, %arg2: memref<8x16xf32, #tpu.memory_space<hbm>>, %arg3: memref<100000xf32, #tpu.memory_space<hbm>>, %arg4: memref<100000xf32, #tpu.memory_space<hbm>>, %arg5: memref<100000xf32, #tpu.memory_space<hbm>>, %arg6: memref<32768xi32, #tpu.memory_space<hbm>>, %arg7: memref<32768xf32, #tpu.memory_space<hbm>>, %arg8: memref<32x16xf32, #tpu.memory_space<hbm>>, %arg9: memref<8x16xf32, #tpu.memory_space<vmem>>, %arg10: memref<3136xf32, #tpu.memory_space<vmem>>, %arg11: memref<3136xf32, #tpu.memory_space<vmem>>, %arg12: memref<3136xf32, #tpu.memory_space<vmem>>, %arg13: memref<32768xi32, #tpu.memory_space<vmem>>, %arg14: memref<32768xf32, #tpu.memory_space<vmem>>, %arg15: memref<16xf32, #tpu.memory_space<vmem>>, %arg16: memref<9408xf32, #tpu.memory_space<vmem>>, %arg17: memref<9408xf32, #tpu.memory_space<vmem>>, %arg18: memref<9408xf32, #tpu.memory_space<vmem>>, %arg19: memref<9408xi32, #tpu.memory_space<vmem>>, %arg20: memref<!tpu.dma_semaphore, #tpu.memory_space<semaphore_mem>>, %arg21: memref<!tpu.dma_semaphore, #tpu.memory_space<semaphore_mem>>) attributes {dimension_semantics = [#tpu.dimension_semantics<core_parallel>, #tpu.dimension_semantics<subcore_parallel>], iteration_bounds = array<i64: 2, 16>, scalar_prefetch = 0 : i64, scratch_operands = 13 : i64, tpu.core_type = #tpu.core_type<sc_vector_subcore>, window_params = [{transform_indices = #map}, {transform_indices = #map1}, {transform_indices = #map1}, {transform_indices = #map1}, {transform_indices = #map1}, {transform_indices = #map1}, {transform_indices = #map}]} {
    %mul3A = arith.constant 2 : i32
    %mul3A_0 = arith.muli %arg1, %mul3A : i32
    %add3A = arith.addi %mul3A_0, %arg0 : i32
    %mul3A_1 = arith.constant 3136 : i32
    %mul3A_2 = arith.muli %add3A, %mul3A_1 : i32
    tpu.enqueue_dma source(%arg6 : memref<32768xi32, #tpu.memory_space<hbm>>) target(%arg13 : memref<32768xi32, #tpu.memory_space<vmem>>) target_semaphore(%arg20 : memref<!tpu.dma_semaphore, #tpu.memory_space<semaphore_mem>>)
    tpu.enqueue_dma source(%arg7 : memref<32768xf32, #tpu.memory_space<hbm>>) target(%arg14 : memref<32768xf32, #tpu.memory_space<vmem>>) target_semaphore(%arg20 : memref<!tpu.dma_semaphore, #tpu.memory_space<semaphore_mem>>)
    %lt3A = arith.constant 31 : i32
    %lt3A_3 = arith.cmpi slt, %add3A, %lt3A : i32
    %convert_element_type3A = arith.extui %lt3A_3 : i1 to i32
    %cond3A = arith.constant 0 : i32
    %cond3A_4 = arith.cmpi ne, %convert_element_type3A, %cond3A : i32
    scf.if %cond3A_4 {
      %dma_start3A = tpu.memref_slice %arg3[%mul3A_2] : memref<100000xf32, #tpu.memory_space<hbm>> -> memref<3136xf32, #tpu.memory_space<hbm>>
      %dma_start3A_299 = tpu.memref_slice %arg3[%mul3A_2] : memref<100000xf32, #tpu.memory_space<hbm>> -> memref<3136xf32, #tpu.memory_space<hbm>>
      tpu.enqueue_dma source(%dma_start3A_299 : memref<3136xf32, #tpu.memory_space<hbm>>) target(%arg10 : memref<3136xf32, #tpu.memory_space<vmem>>) target_semaphore(%arg21 : memref<!tpu.dma_semaphore, #tpu.memory_space<semaphore_mem>>)
      %dma_start3A_300 = tpu.memref_slice %arg4[%mul3A_2] : memref<100000xf32, #tpu.memory_space<hbm>> -> memref<3136xf32, #tpu.memory_space<hbm>>
      %dma_start3A_301 = tpu.memref_slice %arg4[%mul3A_2] : memref<100000xf32, #tpu.memory_space<hbm>> -> memref<3136xf32, #tpu.memory_space<hbm>>
      tpu.enqueue_dma source(%dma_start3A_301 : memref<3136xf32, #tpu.memory_space<hbm>>) target(%arg11 : memref<3136xf32, #tpu.memory_space<vmem>>) target_semaphore(%arg21 : memref<!tpu.dma_semaphore, #tpu.memory_space<semaphore_mem>>)
      %dma_start3A_302 = tpu.memref_slice %arg5[%mul3A_2] : memref<100000xf32, #tpu.memory_space<hbm>> -> memref<3136xf32, #tpu.memory_space<hbm>>
      %dma_start3A_303 = tpu.memref_slice %arg5[%mul3A_2] : memref<100000xf32, #tpu.memory_space<hbm>> -> memref<3136xf32, #tpu.memory_space<hbm>>
      tpu.enqueue_dma source(%dma_start3A_303 : memref<3136xf32, #tpu.memory_space<hbm>>) target(%arg12 : memref<3136xf32, #tpu.memory_space<vmem>>) target_semaphore(%arg21 : memref<!tpu.dma_semaphore, #tpu.memory_space<semaphore_mem>>)
    } else {
    }
    %eq3A = arith.constant 31 : i32
    %eq3A_5 = arith.cmpi eq, %add3A, %eq3A : i32
    %convert_element_type3A_6 = arith.extui %eq3A_5 : i1 to i32
    %cond3A_7 = arith.constant 0 : i32
    %cond3A_8 = arith.cmpi ne, %convert_element_type3A_6, %cond3A_7 : i32
    scf.if %cond3A_8 {
      %dma_start3A = arith.constant 0 : i32
      %dma_start3A_299 = tpu.memref_slice %arg10[%dma_start3A] : memref<3136xf32, #tpu.memory_space<vmem>> -> memref<2784xf32, #tpu.memory_space<vmem>>
      %dma_start3A_300 = arith.constant 97216 : i32
      %dma_start3A_301 = tpu.memref_slice %arg3[%dma_start3A_300] : memref<100000xf32, #tpu.memory_space<hbm>> -> memref<2784xf32, #tpu.memory_space<hbm>>
      %dma_start3A_302 = arith.constant 0 : i32
      %dma_start3A_303 = tpu.memref_slice %arg10[%dma_start3A_302] : memref<3136xf32, #tpu.memory_space<vmem>> -> memref<2784xf32, #tpu.memory_space<vmem>>
      %dma_start3A_304 = arith.constant 97216 : i32
      %dma_start3A_305 = tpu.memref_slice %arg3[%dma_start3A_304] : memref<100000xf32, #tpu.memory_space<hbm>> -> memref<2784xf32, #tpu.memory_space<hbm>>
      tpu.enqueue_dma source(%dma_start3A_305 : memref<2784xf32, #tpu.memory_space<hbm>>) target(%dma_start3A_303 : memref<2784xf32, #tpu.memory_space<vmem>>) target_semaphore(%arg21 : memref<!tpu.dma_semaphore, #tpu.memory_space<semaphore_mem>>)
      %dma_start3A_306 = arith.constant 0 : i32
      %dma_start3A_307 = tpu.memref_slice %arg11[%dma_start3A_306] : memref<3136xf32, #tpu.memory_space<vmem>> -> memref<2784xf32, #tpu.memory_space<vmem>>
      %dma_start3A_308 = arith.constant 97216 : i32
      %dma_start3A_309 = tpu.memref_slice %arg4[%dma_start3A_308] : memref<100000xf32, #tpu.memory_space<hbm>> -> memref<2784xf32, #tpu.memory_space<hbm>>
      %dma_start3A_310 = arith.constant 0 : i32
      %dma_start3A_311 = tpu.memref_slice %arg11[%dma_start3A_310] : memref<3136xf32, #tpu.memory_space<vmem>> -> memref<2784xf32, #tpu.memory_space<vmem>>
      %dma_start3A_312 = arith.constant 97216 : i32
      %dma_start3A_313 = tpu.memref_slice %arg4[%dma_start3A_312] : memref<100000xf32, #tpu.memory_space<hbm>> -> memref<2784xf32, #tpu.memory_space<hbm>>
      tpu.enqueue_dma source(%dma_start3A_313 : memref<2784xf32, #tpu.memory_space<hbm>>) target(%dma_start3A_311 : memref<2784xf32, #tpu.memory_space<vmem>>) target_semaphore(%arg21 : memref<!tpu.dma_semaphore, #tpu.memory_space<semaphore_mem>>)
      %dma_start3A_314 = arith.constant 0 : i32
      %dma_start3A_315 = tpu.memref_slice %arg12[%dma_start3A_314] : memref<3136xf32, #tpu.memory_space<vmem>> -> memref<2784xf32, #tpu.memory_space<vmem>>
      %dma_start3A_316 = arith.constant 97216 : i32
      %dma_start3A_317 = tpu.memref_slice %arg5[%dma_start3A_316] : memref<100000xf32, #tpu.memory_space<hbm>> -> memref<2784xf32, #tpu.memory_space<hbm>>
      %dma_start3A_318 = arith.constant 0 : i32
      %dma_start3A_319 = tpu.memref_slice %arg12[%dma_start3A_318] : memref<3136xf32, #tpu.memory_space<vmem>> -> memref<2784xf32, #tpu.memory_space<vmem>>
      %dma_start3A_320 = arith.constant 97216 : i32
      %dma_start3A_321 = tpu.memref_slice %arg5[%dma_start3A_320] : memref<100000xf32, #tpu.memory_space<hbm>> -> memref<2784xf32, #tpu.memory_space<hbm>>
      tpu.enqueue_dma source(%dma_start3A_321 : memref<2784xf32, #tpu.memory_space<hbm>>) target(%dma_start3A_319 : memref<2784xf32, #tpu.memory_space<vmem>>) target_semaphore(%arg21 : memref<!tpu.dma_semaphore, #tpu.memory_space<semaphore_mem>>)
    } else {
    }
    "tpu.region"() ({
      %run_scoped3A = tpu.sem_alloc : memref<!tpu.dma_semaphore, #tpu.memory_space<semaphore_mem>>
      tpu.enqueue_dma source(%arg2 : memref<8x16xf32, #tpu.memory_space<hbm>>) target(%arg9 : memref<8x16xf32, #tpu.memory_space<vmem>>) target_semaphore(%run_scoped3A : memref<!tpu.dma_semaphore, #tpu.memory_space<semaphore_mem>>)
      tpu.wait_dma2 semaphore(%run_scoped3A : memref<!tpu.dma_semaphore, #tpu.memory_space<semaphore_mem>>) src(%arg2 : memref<8x16xf32, #tpu.memory_space<hbm>>) dst(%arg9 : memref<8x16xf32, #tpu.memory_space<vmem>>)
      tpu.yield
    }) : () -> ()
    %sub3A = arith.constant 100000 : i32
    %sub3A_9 = arith.subi %sub3A, %mul3A_2 : i32
    %jit3A = arith.constant 16 : i32
    %div3A = arith.divsi %sub3A_9, %jit3A : i32
    %sign3A = arith.constant 0 : i32
    %sign3A_10 = arith.cmpi sgt, %sub3A_9, %sign3A : i32
    %sign3A_11 = arith.extui %sign3A_10 : i1 to i32
    %sign3A_12 = arith.constant 0 : i32
    %sign3A_13 = arith.cmpi slt, %sub3A_9, %sign3A_12 : i32
    %sign3A_14 = arith.extui %sign3A_13 : i1 to i32
    %sign3A_15 = arith.subi %sign3A_11, %sign3A_14 : i32
    %sign3A_16 = arith.constant 0 : i32
    %sign3A_17 = arith.cmpi sgt, %jit3A, %sign3A_16 : i32
    %sign3A_18 = arith.extui %sign3A_17 : i1 to i32
    %sign3A_19 = arith.constant 0 : i32
    %sign3A_20 = arith.cmpi slt, %jit3A, %sign3A_19 : i32
    %sign3A_21 = arith.extui %sign3A_20 : i1 to i32
    %sign3A_22 = arith.subi %sign3A_18, %sign3A_21 : i32
    %ne3A = arith.cmpi ne, %sign3A_15, %sign3A_22 : i32
    %rem3A = arith.remsi %sub3A_9, %jit3A : i32
    %ne3A_23 = arith.constant 0 : i32
    %ne3A_24 = arith.cmpi ne, %rem3A, %ne3A_23 : i32
    %and3A = arith.andi %ne3A, %ne3A_24 : i1
    %sub3A_25 = arith.constant 1 : i32
    %sub3A_26 = arith.subi %div3A, %sub3A_25 : i32
    %select_n3A = arith.select %and3A, %sub3A_26, %div3A : i32
    %max3A = arith.constant 0 : i32
    %max3A_27 = arith.maxsi %max3A, %select_n3A : i32
    %min3A = arith.constant 196 : i32
    %min3A_28 = arith.minsi %min3A, %max3A_27 : i32
    %get3A = arith.constant 7 : i32
    %get3A_29 = arith.index_cast %get3A : i32 to index
    %get3A_30 = arith.constant 0 : index
    %get3A_31 = tpu.vector_load %arg9[%get3A_29, %get3A_30] {strides = array<i32>} : memref<8x16xf32, #tpu.memory_space<vmem>>, vector<16xf32>,
    %slice3A = vector.extract_strided_slice %get3A_31 {offsets = [0], sizes = [1], strides = [1]} : vector<16xf32> to vector<1xf32>
    %squeeze3A = vector.extract %slice3A[0] : f32 from vector<1xf32>
    %mul3A_32 = arith.constant 3.200000e+01 : f32
    %mul3A_33 = arith.mulf %mul3A_32, %squeeze3A : f32
    %get3A_34 = arith.constant 0 : i32
    %get3A_35 = arith.index_cast %get3A_34 : i32 to index
    %get3A_36 = arith.constant 0 : index
    %get3A_37 = tpu.vector_load %arg9[%get3A_35, %get3A_36] {strides = array<i32>} : memref<8x16xf32, #tpu.memory_space<vmem>>, vector<16xf32>,
    %slice3A_38 = vector.extract_strided_slice %get3A_37 {offsets = [0], sizes = [1], strides = [1]} : vector<16xf32> to vector<1xf32>
    %squeeze3A_39 = vector.extract %slice3A_38[0] : f32 from vector<1xf32>
    %slice3A_40 = vector.extract_strided_slice %get3A_37 {offsets = [1], sizes = [1], strides = [1]} : vector<16xf32> to vector<1xf32>
    %squeeze3A_41 = vector.extract %slice3A_40[0] : f32 from vector<1xf32>
    %slice3A_42 = vector.extract_strided_slice %get3A_37 {offsets = [2], sizes = [1], strides = [1]} : vector<16xf32> to vector<1xf32>
    %squeeze3A_43 = vector.extract %slice3A_42[0] : f32 from vector<1xf32>
    %slice3A_44 = vector.extract_strided_slice %get3A_37 {offsets = [3], sizes = [1], strides = [1]} : vector<16xf32> to vector<1xf32>
    %squeeze3A_45 = vector.extract %slice3A_44[0] : f32 from vector<1xf32>
    %mul3A_46 = arith.mulf %squeeze3A_39, %squeeze3A_39 : f32
    %mul3A_47 = arith.mulf %squeeze3A_41, %squeeze3A_41 : f32
    %add3A_48 = arith.addf %mul3A_46, %mul3A_47 : f32
    %mul3A_49 = arith.mulf %squeeze3A_43, %squeeze3A_43 : f32
    %add3A_50 = arith.addf %add3A_48, %mul3A_49 : f32
    %broadcast_in_dim3A = vector.broadcast %add3A_50 : f32 to vector<16xf32>
    %div3A_51 = arith.constant 1.000000e+00 : f32
    %div3A_52 = vector.broadcast %div3A_51 : f32 to vector<16xf32>
    %div3A_53 = arith.divf %div3A_52, %broadcast_in_dim3A : vector<16xf32>
    %slice3A_54 = vector.extract_strided_slice %div3A_53 {offsets = [0], sizes = [1], strides = [1]} : vector<16xf32> to vector<1xf32>
    %squeeze3A_55 = vector.extract %slice3A_54[0] : f32 from vector<1xf32>
    %mul3A_56 = arith.constant -6.400000e+01 : f32
    %mul3A_57 = arith.mulf %mul3A_56, %squeeze3A_55 : f32
    %mul3A_58 = arith.mulf %mul3A_57, %squeeze3A_45 : f32
    %mul3A_59 = arith.mulf %mul3A_57, %squeeze3A_39 : f32
    %mul3A_60 = arith.mulf %mul3A_59, %squeeze3A_39 : f32
    %add3A_61 = arith.constant 3.200000e+01 : f32
    %add3A_62 = arith.addf %add3A_61, %mul3A_60 : f32
    %mul3A_63 = arith.mulf %mul3A_57, %squeeze3A_39 : f32
    %mul3A_64 = arith.mulf %mul3A_63, %squeeze3A_41 : f32
    %mul3A_65 = arith.mulf %mul3A_57, %squeeze3A_39 : f32
    %mul3A_66 = arith.mulf %mul3A_65, %squeeze3A_43 : f32
    %mul3A_67 = arith.mulf %mul3A_57, %squeeze3A_41 : f32
    %mul3A_68 = arith.mulf %mul3A_67, %squeeze3A_39 : f32
    %mul3A_69 = arith.mulf %mul3A_57, %squeeze3A_41 : f32
    %mul3A_70 = arith.mulf %mul3A_69, %squeeze3A_41 : f32
    %add3A_71 = arith.constant 3.200000e+01 : f32
    %add3A_72 = arith.addf %add3A_71, %mul3A_70 : f32
    %mul3A_73 = arith.mulf %mul3A_57, %squeeze3A_41 : f32
    %mul3A_74 = arith.mulf %mul3A_73, %squeeze3A_43 : f32
    %mul3A_75 = arith.mulf %mul3A_57, %squeeze3A_43 : f32
    %mul3A_76 = arith.mulf %mul3A_75, %squeeze3A_39 : f32
    %mul3A_77 = arith.mulf %mul3A_57, %squeeze3A_43 : f32
    %mul3A_78 = arith.mulf %mul3A_77, %squeeze3A_41 : f32
    %mul3A_79 = arith.mulf %mul3A_57, %squeeze3A_43 : f32
    %mul3A_80 = arith.mulf %mul3A_79, %squeeze3A_43 : f32
    %add3A_81 = arith.constant 3.200000e+01 : f32
    %add3A_82 = arith.addf %add3A_81, %mul3A_80 : f32
    %mul3A_83 = arith.mulf %mul3A_58, %squeeze3A_39 : f32
    %add3A_84 = arith.addf %mul3A_83, %mul3A_33 : f32
    %mul3A_85 = arith.mulf %mul3A_58, %squeeze3A_41 : f32
    %add3A_86 = arith.addf %mul3A_85, %mul3A_33 : f32
    %mul3A_87 = arith.mulf %mul3A_58, %squeeze3A_43 : f32
    %add3A_88 = arith.addf %mul3A_87, %mul3A_33 : f32
    %get3A_89 = arith.constant 1 : i32
    %get3A_90 = arith.index_cast %get3A_89 : i32 to index
    %get3A_91 = arith.constant 0 : index
    %get3A_92 = tpu.vector_load %arg9[%get3A_90, %get3A_91] {strides = array<i32>} : memref<8x16xf32, #tpu.memory_space<vmem>>, vector<16xf32>,
    %slice3A_93 = vector.extract_strided_slice %get3A_92 {offsets = [0], sizes = [1], strides = [1]} : vector<16xf32> to vector<1xf32>
    %squeeze3A_94 = vector.extract %slice3A_93[0] : f32 from vector<1xf32>
    %slice3A_95 = vector.extract_strided_slice %get3A_92 {offsets = [1], sizes = [1], strides = [1]} : vector<16xf32> to vector<1xf32>
    %squeeze3A_96 = vector.extract %slice3A_95[0] : f32 from vector<1xf32>
    %slice3A_97 = vector.extract_strided_slice %get3A_92 {offsets = [2], sizes = [1], strides = [1]} : vector<16xf32> to vector<1xf32>
    %squeeze3A_98 = vector.extract %slice3A_97[0] : f32 from vector<1xf32>
    %slice3A_99 = vector.extract_strided_slice %get3A_92 {offsets = [3], sizes = [1], strides = [1]} : vector<16xf32> to vector<1xf32>
    %squeeze3A_100 = vector.extract %slice3A_99[0] : f32 from vector<1xf32>
    %mul3A_101 = arith.mulf %squeeze3A_94, %squeeze3A_94 : f32
    %mul3A_102 = arith.mulf %squeeze3A_96, %squeeze3A_96 : f32
    %add3A_103 = arith.addf %mul3A_101, %mul3A_102 : f32
    %mul3A_104 = arith.mulf %squeeze3A_98, %squeeze3A_98 : f32
    %add3A_105 = arith.addf %add3A_103, %mul3A_104 : f32
    %broadcast_in_dim3A_106 = vector.broadcast %add3A_105 : f32 to vector<16xf32>
    %div3A_107 = arith.constant 1.000000e+00 : f32
    %div3A_108 = vector.broadcast %div3A_107 : f32 to vector<16xf32>
    %div3A_109 = arith.divf %div3A_108, %broadcast_in_dim3A_106 : vector<16xf32>
    %slice3A_110 = vector.extract_strided_slice %div3A_109 {offsets = [0], sizes = [1], strides = [1]} : vector<16xf32> to vector<1xf32>
    %squeeze3A_111 = vector.extract %slice3A_110[0] : f32 from vector<1xf32>
    %mul3A_112 = arith.constant -6.400000e+01 : f32
    %mul3A_113 = arith.mulf %mul3A_112, %squeeze3A_111 : f32
    %mul3A_114 = arith.mulf %mul3A_113, %squeeze3A_100 : f32
    %mul3A_115 = arith.mulf %mul3A_113, %squeeze3A_94 : f32
    %mul3A_116 = arith.mulf %mul3A_115, %squeeze3A_94 : f32
    %add3A_117 = arith.constant 3.200000e+01 : f32
    %add3A_118 = arith.addf %add3A_117, %mul3A_116 : f32
    %mul3A_119 = arith.mulf %mul3A_113, %squeeze3A_94 : f32
    %mul3A_120 = arith.mulf %mul3A_119, %squeeze3A_96 : f32
    %mul3A_121 = arith.mulf %mul3A_113, %squeeze3A_94 : f32
    %mul3A_122 = arith.mulf %mul3A_121, %squeeze3A_98 : f32
    %mul3A_123 = arith.mulf %mul3A_113, %squeeze3A_96 : f32
    %mul3A_124 = arith.mulf %mul3A_123, %squeeze3A_94 : f32
    %mul3A_125 = arith.mulf %mul3A_113, %squeeze3A_96 : f32
    %mul3A_126 = arith.mulf %mul3A_125, %squeeze3A_96 : f32
    %add3A_127 = arith.constant 3.200000e+01 : f32
    %add3A_128 = arith.addf %add3A_127, %mul3A_126 : f32
    %mul3A_129 = arith.mulf %mul3A_113, %squeeze3A_96 : f32
    %mul3A_130 = arith.mulf %mul3A_129, %squeeze3A_98 : f32
    %mul3A_131 = arith.mulf %mul3A_113, %squeeze3A_98 : f32
    %mul3A_132 = arith.mulf %mul3A_131, %squeeze3A_94 : f32
    %mul3A_133 = arith.mulf %mul3A_113, %squeeze3A_98 : f32
    %mul3A_134 = arith.mulf %mul3A_133, %squeeze3A_96 : f32
    %mul3A_135 = arith.mulf %mul3A_113, %squeeze3A_98 : f32
    %mul3A_136 = arith.mulf %mul3A_135, %squeeze3A_98 : f32
    %add3A_137 = arith.constant 3.200000e+01 : f32
    %add3A_138 = arith.addf %add3A_137, %mul3A_136 : f32
    %mul3A_139 = arith.mulf %mul3A_114, %squeeze3A_94 : f32
    %add3A_140 = arith.addf %mul3A_139, %mul3A_33 : f32
    %mul3A_141 = arith.mulf %mul3A_114, %squeeze3A_96 : f32
    %add3A_142 = arith.addf %mul3A_141, %mul3A_33 : f32
    %mul3A_143 = arith.mulf %mul3A_114, %squeeze3A_98 : f32
    %add3A_144 = arith.addf %mul3A_143, %mul3A_33 : f32
    %get3A_145 = arith.constant 2 : i32
    %get3A_146 = arith.index_cast %get3A_145 : i32 to index
    %get3A_147 = arith.constant 0 : index
    %get3A_148 = tpu.vector_load %arg9[%get3A_146, %get3A_147] {strides = array<i32>} : memref<8x16xf32, #tpu.memory_space<vmem>>, vector<16xf32>,
    %slice3A_149 = vector.extract_strided_slice %get3A_148 {offsets = [0], sizes = [1], strides = [1]} : vector<16xf32> to vector<1xf32>
    %squeeze3A_150 = vector.extract %slice3A_149[0] : f32 from vector<1xf32>
    %slice3A_151 = vector.extract_strided_slice %get3A_148 {offsets = [1], sizes = [1], strides = [1]} : vector<16xf32> to vector<1xf32>
    %squeeze3A_152 = vector.extract %slice3A_151[0] : f32 from vector<1xf32>
    %slice3A_153 = vector.extract_strided_slice %get3A_148 {offsets = [2], sizes = [1], strides = [1]} : vector<16xf32> to vector<1xf32>
    %squeeze3A_154 = vector.extract %slice3A_153[0] : f32 from vector<1xf32>
    %slice3A_155 = vector.extract_strided_slice %get3A_148 {offsets = [3], sizes = [1], strides = [1]} : vector<16xf32> to vector<1xf32>
    %squeeze3A_156 = vector.extract %slice3A_155[0] : f32 from vector<1xf32>
    %mul3A_157 = arith.mulf %squeeze3A_150, %squeeze3A_150 : f32
    %mul3A_158 = arith.mulf %squeeze3A_152, %squeeze3A_152 : f32
    %add3A_159 = arith.addf %mul3A_157, %mul3A_158 : f32
    %mul3A_160 = arith.mulf %squeeze3A_154, %squeeze3A_154 : f32
    %add3A_161 = arith.addf %add3A_159, %mul3A_160 : f32
    %broadcast_in_dim3A_162 = vector.broadcast %add3A_161 : f32 to vector<16xf32>
    %div3A_163 = arith.constant 1.000000e+00 : f32
    %div3A_164 = vector.broadcast %div3A_163 : f32 to vector<16xf32>
    %div3A_165 = arith.divf %div3A_164, %broadcast_in_dim3A_162 : vector<16xf32>
    %slice3A_166 = vector.extract_strided_slice %div3A_165 {offsets = [0], sizes = [1], strides = [1]} : vector<16xf32> to vector<1xf32>
    %squeeze3A_167 = vector.extract %slice3A_166[0] : f32 from vector<1xf32>
    %mul3A_168 = arith.constant -6.400000e+01 : f32
    %mul3A_169 = arith.mulf %mul3A_168, %squeeze3A_167 : f32
    %mul3A_170 = arith.mulf %mul3A_169, %squeeze3A_156 : f32
    %mul3A_171 = arith.mulf %mul3A_169, %squeeze3A_150 : f32
    %mul3A_172 = arith.mulf %mul3A_171, %squeeze3A_150 : f32
    %add3A_173 = arith.constant 3.200000e+01 : f32
    %add3A_174 = arith.addf %add3A_173, %mul3A_172 : f32
    %mul3A_175 = arith.mulf %mul3A_169, %squeeze3A_150 : f32
    %mul3A_176 = arith.mulf %mul3A_175, %squeeze3A_152 : f32
    %mul3A_177 = arith.mulf %mul3A_169, %squeeze3A_150 : f32
    %mul3A_178 = arith.mulf %mul3A_177, %squeeze3A_154 : f32
    %mul3A_179 = arith.mulf %mul3A_169, %squeeze3A_152 : f32
    %mul3A_180 = arith.mulf %mul3A_179, %squeeze3A_150 : f32
    %mul3A_181 = arith.mulf %mul3A_169, %squeeze3A_152 : f32
    %mul3A_182 = arith.mulf %mul3A_181, %squeeze3A_152 : f32
    %add3A_183 = arith.constant 3.200000e+01 : f32
    %add3A_184 = arith.addf %add3A_183, %mul3A_182 : f32
    %mul3A_185 = arith.mulf %mul3A_169, %squeeze3A_152 : f32
    %mul3A_186 = arith.mulf %mul3A_185, %squeeze3A_154 : f32
    %mul3A_187 = arith.mulf %mul3A_169, %squeeze3A_154 : f32
    %mul3A_188 = arith.mulf %mul3A_187, %squeeze3A_150 : f32
    %mul3A_189 = arith.mulf %mul3A_169, %squeeze3A_154 : f32
    %mul3A_190 = arith.mulf %mul3A_189, %squeeze3A_152 : f32
    %mul3A_191 = arith.mulf %mul3A_169, %squeeze3A_154 : f32
    %mul3A_192 = arith.mulf %mul3A_191, %squeeze3A_154 : f32
    %add3A_193 = arith.constant 3.200000e+01 : f32
    %add3A_194 = arith.addf %add3A_193, %mul3A_192 : f32
    %mul3A_195 = arith.mulf %mul3A_170, %squeeze3A_150 : f32
    %add3A_196 = arith.addf %mul3A_195, %mul3A_33 : f32
    %mul3A_197 = arith.mulf %mul3A_170, %squeeze3A_152 : f32
    %add3A_198 = arith.addf %mul3A_197, %mul3A_33 : f32
    %mul3A_199 = arith.mulf %mul3A_170, %squeeze3A_154 : f32
    %add3A_200 = arith.addf %mul3A_199, %mul3A_33 : f32
    %get3A_201 = arith.constant 3 : i32
    %get3A_202 = arith.index_cast %get3A_201 : i32 to index
    %get3A_203 = arith.constant 0 : index
    %get3A_204 = tpu.vector_load %arg9[%get3A_202, %get3A_203] {strides = array<i32>} : memref<8x16xf32, #tpu.memory_space<vmem>>, vector<16xf32>,
    %slice3A_205 = vector.extract_strided_slice %get3A_204 {offsets = [1], sizes = [1], strides = [1]} : vector<16xf32> to vector<1xf32>
    %squeeze3A_206 = vector.extract %slice3A_205[0] : f32 from vector<1xf32>
    %slice3A_207 = vector.extract_strided_slice %get3A_204 {offsets = [2], sizes = [1], strides = [1]} : vector<16xf32> to vector<1xf32>
    %squeeze3A_208 = vector.extract %slice3A_207[0] : f32 from vector<1xf32>
    %slice3A_209 = vector.extract_strided_slice %get3A_204 {offsets = [3], sizes = [1], strides = [1]} : vector<16xf32> to vector<1xf32>
    %squeeze3A_210 = vector.extract %slice3A_209[0] : f32 from vector<1xf32>
    %mul3A_211 = arith.mulf %squeeze3A_206, %squeeze3A_206 : f32
    %mul3A_212 = arith.constant -3.200000e+01 : f32
    %mul3A_213 = arith.mulf %mul3A_212, %mul3A_211 : f32
    %mul3A_214 = arith.mulf %squeeze3A_208, %squeeze3A_208 : f32
    %mul3A_215 = arith.constant -3.200000e+01 : f32
    %mul3A_216 = arith.mulf %mul3A_215, %mul3A_214 : f32
    %mul3A_217 = arith.mulf %squeeze3A_210, %squeeze3A_210 : f32
    %mul3A_218 = arith.constant -3.200000e+01 : f32
    %mul3A_219 = arith.mulf %mul3A_218, %mul3A_217 : f32
    %get3A_220 = arith.constant 4 : i32
    %get3A_221 = arith.index_cast %get3A_220 : i32 to index
    %get3A_222 = arith.constant 0 : index
    %get3A_223 = tpu.vector_load %arg9[%get3A_221, %get3A_222] {strides = array<i32>} : memref<8x16xf32, #tpu.memory_space<vmem>>, vector<16xf32>,
    %slice3A_224 = vector.extract_strided_slice %get3A_223 {offsets = [1], sizes = [1], strides = [1]} : vector<16xf32> to vector<1xf32>
    %squeeze3A_225 = vector.extract %slice3A_224[0] : f32 from vector<1xf32>
    %slice3A_226 = vector.extract_strided_slice %get3A_223 {offsets = [2], sizes = [1], strides = [1]} : vector<16xf32> to vector<1xf32>
    %squeeze3A_227 = vector.extract %slice3A_226[0] : f32 from vector<1xf32>
    %slice3A_228 = vector.extract_strided_slice %get3A_223 {offsets = [3], sizes = [1], strides = [1]} : vector<16xf32> to vector<1xf32>
    %squeeze3A_229 = vector.extract %slice3A_228[0] : f32 from vector<1xf32>
    %mul3A_230 = arith.mulf %squeeze3A_225, %squeeze3A_225 : f32
    %mul3A_231 = arith.constant -3.200000e+01 : f32
    %mul3A_232 = arith.mulf %mul3A_231, %mul3A_230 : f32
    %mul3A_233 = arith.mulf %squeeze3A_227, %squeeze3A_227 : f32
    %mul3A_234 = arith.constant -3.200000e+01 : f32
    %mul3A_235 = arith.mulf %mul3A_234, %mul3A_233 : f32
    %mul3A_236 = arith.mulf %squeeze3A_229, %squeeze3A_229 : f32
    %mul3A_237 = arith.constant -3.200000e+01 : f32
    %mul3A_238 = arith.mulf %mul3A_237, %mul3A_236 : f32
    %get3A_239 = arith.constant 5 : i32
    %get3A_240 = arith.index_cast %get3A_239 : i32 to index
    %get3A_241 = arith.constant 0 : index
    %get3A_242 = tpu.vector_load %arg9[%get3A_240, %get3A_241] {strides = array<i32>} : memref<8x16xf32, #tpu.memory_space<vmem>>, vector<16xf32>,
    %slice3A_243 = vector.extract_strided_slice %get3A_242 {offsets = [1], sizes = [1], strides = [1]} : vector<16xf32> to vector<1xf32>
    %squeeze3A_244 = vector.extract %slice3A_243[0] : f32 from vector<1xf32>
    %slice3A_245 = vector.extract_strided_slice %get3A_242 {offsets = [2], sizes = [1], strides = [1]} : vector<16xf32> to vector<1xf32>
    %squeeze3A_246 = vector.extract %slice3A_245[0] : f32 from vector<1xf32>
    %slice3A_247 = vector.extract_strided_slice %get3A_242 {offsets = [3], sizes = [1], strides = [1]} : vector<16xf32> to vector<1xf32>
    %squeeze3A_248 = vector.extract %slice3A_247[0] : f32 from vector<1xf32>
    %mul3A_249 = arith.mulf %squeeze3A_244, %squeeze3A_244 : f32
    %mul3A_250 = arith.constant -3.200000e+01 : f32
    %mul3A_251 = arith.mulf %mul3A_250, %mul3A_249 : f32
    %mul3A_252 = arith.mulf %squeeze3A_246, %squeeze3A_246 : f32
    %mul3A_253 = arith.constant -3.200000e+01 : f32
    %mul3A_254 = arith.mulf %mul3A_253, %mul3A_252 : f32
    %mul3A_255 = arith.mulf %squeeze3A_248, %squeeze3A_248 : f32
    %mul3A_256 = arith.constant -3.200000e+01 : f32
    %mul3A_257 = arith.mulf %mul3A_256, %mul3A_255 : f32
    %get3A_258 = arith.constant 6 : i32
    %get3A_259 = arith.index_cast %get3A_258 : i32 to index
    %get3A_260 = arith.constant 0 : index
    %get3A_261 = tpu.vector_load %arg9[%get3A_259, %get3A_260] {strides = array<i32>} : memref<8x16xf32, #tpu.memory_space<vmem>>, vector<16xf32>,
    %slice3A_262 = vector.extract_strided_slice %get3A_261 {offsets = [1], sizes = [1], strides = [1]} : vector<16xf32> to vector<1xf32>
    %squeeze3A_263 = vector.extract %slice3A_262[0] : f32 from vector<1xf32>
    %slice3A_264 = vector.extract_strided_slice %get3A_261 {offsets = [2], sizes = [1], strides = [1]} : vector<16xf32> to vector<1xf32>
    %squeeze3A_265 = vector.extract %slice3A_264[0] : f32 from vector<1xf32>
    %slice3A_266 = vector.extract_strided_slice %get3A_261 {offsets = [3], sizes = [1], strides = [1]} : vector<16xf32> to vector<1xf32>
    %squeeze3A_267 = vector.extract %slice3A_266[0] : f32 from vector<1xf32>
    %mul3A_268 = arith.mulf %squeeze3A_263, %squeeze3A_263 : f32
    %mul3A_269 = arith.constant -3.200000e+01 : f32
    %mul3A_270 = arith.mulf %mul3A_269, %mul3A_268 : f32
    %mul3A_271 = arith.mulf %squeeze3A_265, %squeeze3A_265 : f32
    %mul3A_272 = arith.constant -3.200000e+01 : f32
    %mul3A_273 = arith.mulf %mul3A_272, %mul3A_271 : f32
    %mul3A_274 = arith.mulf %squeeze3A_267, %squeeze3A_267 : f32
    %mul3A_275 = arith.constant -3.200000e+01 : f32
    %mul3A_276 = arith.mulf %mul3A_275, %mul3A_274 : f32
    %lt3A_277 = arith.constant 31 : i32
    %lt3A_278 = arith.cmpi slt, %add3A, %lt3A_277 : i32
    %convert_element_type3A_279 = arith.extui %lt3A_278 : i1 to i32
    %cond3A_280 = arith.constant 0 : i32
    %cond3A_281 = arith.cmpi ne, %convert_element_type3A_279, %cond3A_280 : i32
    scf.if %cond3A_281 {
      %dma_wait3A = tpu.memref_slice %arg3[%mul3A_2] : memref<100000xf32, #tpu.memory_space<hbm>> -> memref<3136xf32, #tpu.memory_space<hbm>>
      %dma_wait3A_299 = tpu.memref_slice %arg3[%mul3A_2] : memref<100000xf32, #tpu.memory_space<hbm>> -> memref<3136xf32, #tpu.memory_space<hbm>>
      tpu.wait_dma2 semaphore(%arg21 : memref<!tpu.dma_semaphore, #tpu.memory_space<semaphore_mem>>) src(%dma_wait3A_299 : memref<3136xf32, #tpu.memory_space<hbm>>) dst(%arg10 : memref<3136xf32, #tpu.memory_space<vmem>>)
      %dma_wait3A_300 = tpu.memref_slice %arg4[%mul3A_2] : memref<100000xf32, #tpu.memory_space<hbm>> -> memref<3136xf32, #tpu.memory_space<hbm>>
      %dma_wait3A_301 = tpu.memref_slice %arg4[%mul3A_2] : memref<100000xf32, #tpu.memory_space<hbm>> -> memref<3136xf32, #tpu.memory_space<hbm>>
      tpu.wait_dma2 semaphore(%arg21 : memref<!tpu.dma_semaphore, #tpu.memory_space<semaphore_mem>>) src(%dma_wait3A_301 : memref<3136xf32, #tpu.memory_space<hbm>>) dst(%arg11 : memref<3136xf32, #tpu.memory_space<vmem>>)
      %dma_wait3A_302 = tpu.memref_slice %arg5[%mul3A_2] : memref<100000xf32, #tpu.memory_space<hbm>> -> memref<3136xf32, #tpu.memory_space<hbm>>
      %dma_wait3A_303 = tpu.memref_slice %arg5[%mul3A_2] : memref<100000xf32, #tpu.memory_space<hbm>> -> memref<3136xf32, #tpu.memory_space<hbm>>
      tpu.wait_dma2 semaphore(%arg21 : memref<!tpu.dma_semaphore, #tpu.memory_space<semaphore_mem>>) src(%dma_wait3A_303 : memref<3136xf32, #tpu.memory_space<hbm>>) dst(%arg12 : memref<3136xf32, #tpu.memory_space<vmem>>)
    } else {
    }
    %eq3A_282 = arith.constant 31 : i32
    %eq3A_283 = arith.cmpi eq, %add3A, %eq3A_282 : i32
    %convert_element_type3A_284 = arith.extui %eq3A_283 : i1 to i32
    %cond3A_285 = arith.constant 0 : i32
    %cond3A_286 = arith.cmpi ne, %convert_element_type3A_284, %cond3A_285 : i32
    scf.if %cond3A_286 {
      %dma_wait3A = arith.constant 0 : i32
      %dma_wait3A_299 = tpu.memref_slice %arg10[%dma_wait3A] : memref<3136xf32, #tpu.memory_space<vmem>> -> memref<2784xf32, #tpu.memory_space<vmem>>
      %dma_wait3A_300 = arith.constant 97216 : i32
      %dma_wait3A_301 = tpu.memref_slice %arg3[%dma_wait3A_300] : memref<100000xf32, #tpu.memory_space<hbm>> -> memref<2784xf32, #tpu.memory_space<hbm>>
      %dma_wait3A_302 = arith.constant 0 : i32
      %dma_wait3A_303 = tpu.memref_slice %arg10[%dma_wait3A_302] : memref<3136xf32, #tpu.memory_space<vmem>> -> memref<2784xf32, #tpu.memory_space<vmem>>
      %dma_wait3A_304 = arith.constant 97216 : i32
      %dma_wait3A_305 = tpu.memref_slice %arg3[%dma_wait3A_304] : memref<100000xf32, #tpu.memory_space<hbm>> -> memref<2784xf32, #tpu.memory_space<hbm>>
      tpu.wait_dma2 semaphore(%arg21 : memref<!tpu.dma_semaphore, #tpu.memory_space<semaphore_mem>>) src(%dma_wait3A_305 : memref<2784xf32, #tpu.memory_space<hbm>>) dst(%dma_wait3A_303 : memref<2784xf32, #tpu.memory_space<vmem>>)
      %dma_wait3A_306 = arith.constant 0 : i32
      %dma_wait3A_307 = tpu.memref_slice %arg11[%dma_wait3A_306] : memref<3136xf32, #tpu.memory_space<vmem>> -> memref<2784xf32, #tpu.memory_space<vmem>>
      %dma_wait3A_308 = arith.constant 97216 : i32
      %dma_wait3A_309 = tpu.memref_slice %arg4[%dma_wait3A_308] : memref<100000xf32, #tpu.memory_space<hbm>> -> memref<2784xf32, #tpu.memory_space<hbm>>
      %dma_wait3A_310 = arith.constant 0 : i32
      %dma_wait3A_311 = tpu.memref_slice %arg11[%dma_wait3A_310] : memref<3136xf32, #tpu.memory_space<vmem>> -> memref<2784xf32, #tpu.memory_space<vmem>>
      %dma_wait3A_312 = arith.constant 97216 : i32
      %dma_wait3A_313 = tpu.memref_slice %arg4[%dma_wait3A_312] : memref<100000xf32, #tpu.memory_space<hbm>> -> memref<2784xf32, #tpu.memory_space<hbm>>
      tpu.wait_dma2 semaphore(%arg21 : memref<!tpu.dma_semaphore, #tpu.memory_space<semaphore_mem>>) src(%dma_wait3A_313 : memref<2784xf32, #tpu.memory_space<hbm>>) dst(%dma_wait3A_311 : memref<2784xf32, #tpu.memory_space<vmem>>)
      %dma_wait3A_314 = arith.constant 0 : i32
      %dma_wait3A_315 = tpu.memref_slice %arg12[%dma_wait3A_314] : memref<3136xf32, #tpu.memory_space<vmem>> -> memref<2784xf32, #tpu.memory_space<vmem>>
      %dma_wait3A_316 = arith.constant 97216 : i32
      %dma_wait3A_317 = tpu.memref_slice %arg5[%dma_wait3A_316] : memref<100000xf32, #tpu.memory_space<hbm>> -> memref<2784xf32, #tpu.memory_space<hbm>>
      %dma_wait3A_318 = arith.constant 0 : i32
      %dma_wait3A_319 = tpu.memref_slice %arg12[%dma_wait3A_318] : memref<3136xf32, #tpu.memory_space<vmem>> -> memref<2784xf32, #tpu.memory_space<vmem>>
      %dma_wait3A_320 = arith.constant 97216 : i32
      %dma_wait3A_321 = tpu.memref_slice %arg5[%dma_wait3A_320] : memref<100000xf32, #tpu.memory_space<hbm>> -> memref<2784xf32, #tpu.memory_space<hbm>>
      tpu.wait_dma2 semaphore(%arg21 : memref<!tpu.dma_semaphore, #tpu.memory_space<semaphore_mem>>) src(%dma_wait3A_321 : memref<2784xf32, #tpu.memory_space<hbm>>) dst(%dma_wait3A_319 : memref<2784xf32, #tpu.memory_space<vmem>>)
    } else {
    }
    %parallel_loop3A = arith.constant 0 : i32
    %parallel_loop3A_287 = arith.constant 1 : i32
    %parallel_loop3A_288 = arith.constant 0 : i32
    %parallel_loop3A_289 = scf.for %parallel_loop3A_299 = %parallel_loop3A to %min3A_28 step %parallel_loop3A_287 iter_args(%parallel_loop3A_300 = %parallel_loop3A_288) -> (i32)  : i32 {
      %parallel_loop3A_301 = arith.constant 16 : i32
      %parallel_loop3A_302 = arith.muli %parallel_loop3A_299, %parallel_loop3A_301 : i32
      %parallel_loop3A_303 = arith.index_cast %parallel_loop3A_302 : i32 to index
      %parallel_loop3A_304 = tpu.vector_load %arg10[%parallel_loop3A_303] {strides = array<i32>} : memref<3136xf32, #tpu.memory_space<vmem>>, vector<16xf32>,
      %parallel_loop3A_305 = arith.constant 16 : i32
      %parallel_loop3A_306 = arith.muli %parallel_loop3A_299, %parallel_loop3A_305 : i32
      %parallel_loop3A_307 = arith.index_cast %parallel_loop3A_306 : i32 to index
      %parallel_loop3A_308 = tpu.vector_load %arg11[%parallel_loop3A_307] {strides = array<i32>} : memref<3136xf32, #tpu.memory_space<vmem>>, vector<16xf32>,
      %parallel_loop3A_309 = arith.constant 16 : i32
      %parallel_loop3A_310 = arith.muli %parallel_loop3A_299, %parallel_loop3A_309 : i32
      %parallel_loop3A_311 = arith.index_cast %parallel_loop3A_310 : i32 to index
      %parallel_loop3A_312 = tpu.vector_load %arg12[%parallel_loop3A_311] {strides = array<i32>} : memref<3136xf32, #tpu.memory_space<vmem>>, vector<16xf32>,
      %parallel_loop3A_313 = vector.broadcast %add3A_62 : f32 to vector<16xf32>
      %parallel_loop3A_314 = arith.mulf %parallel_loop3A_313, %parallel_loop3A_304 : vector<16xf32>
      %parallel_loop3A_315 = vector.broadcast %mul3A_64 : f32 to vector<16xf32>
      %parallel_loop3A_316 = arith.mulf %parallel_loop3A_315, %parallel_loop3A_308 : vector<16xf32>
      %parallel_loop3A_317 = arith.addf %parallel_loop3A_314, %parallel_loop3A_316 : vector<16xf32>
      %parallel_loop3A_318 = vector.broadcast %mul3A_66 : f32 to vector<16xf32>
      %parallel_loop3A_319 = arith.mulf %parallel_loop3A_318, %parallel_loop3A_312 : vector<16xf32>
      %parallel_loop3A_320 = arith.addf %parallel_loop3A_317, %parallel_loop3A_319 : vector<16xf32>
      %parallel_loop3A_321 = vector.broadcast %add3A_84 : f32 to vector<16xf32>
      %parallel_loop3A_322 = arith.addf %parallel_loop3A_320, %parallel_loop3A_321 : vector<16xf32>
      %parallel_loop3A_323 = vector.broadcast %mul3A_68 : f32 to vector<16xf32>
      %parallel_loop3A_324 = arith.mulf %parallel_loop3A_323, %parallel_loop3A_304 : vector<16xf32>
      %parallel_loop3A_325 = vector.broadcast %add3A_72 : f32 to vector<16xf32>
      %parallel_loop3A_326 = arith.mulf %parallel_loop3A_325, %parallel_loop3A_308 : vector<16xf32>
      %parallel_loop3A_327 = arith.addf %parallel_loop3A_324, %parallel_loop3A_326 : vector<16xf32>
      %parallel_loop3A_328 = vector.broadcast %mul3A_74 : f32 to vector<16xf32>
      %parallel_loop3A_329 = arith.mulf %parallel_loop3A_328, %parallel_loop3A_312 : vector<16xf32>
      %parallel_loop3A_330 = arith.addf %parallel_loop3A_327, %parallel_loop3A_329 : vector<16xf32>
      %parallel_loop3A_331 = vector.broadcast %add3A_86 : f32 to vector<16xf32>
      %parallel_loop3A_332 = arith.addf %parallel_loop3A_330, %parallel_loop3A_331 : vector<16xf32>
      %parallel_loop3A_333 = vector.broadcast %mul3A_76 : f32 to vector<16xf32>
      %parallel_loop3A_334 = arith.mulf %parallel_loop3A_333, %parallel_loop3A_304 : vector<16xf32>
      %parallel_loop3A_335 = vector.broadcast %mul3A_78 : f32 to vector<16xf32>
      %parallel_loop3A_336 = arith.mulf %parallel_loop3A_335, %parallel_loop3A_308 : vector<16xf32>
      %parallel_loop3A_337 = arith.addf %parallel_loop3A_334, %parallel_loop3A_336 : vector<16xf32>
      %parallel_loop3A_338 = vector.broadcast %add3A_82 : f32 to vector<16xf32>
      %parallel_loop3A_339 = arith.mulf %parallel_loop3A_338, %parallel_loop3A_312 : vector<16xf32>
      %parallel_loop3A_340 = arith.addf %parallel_loop3A_337, %parallel_loop3A_339 : vector<16xf32>
      %parallel_loop3A_341 = vector.broadcast %add3A_88 : f32 to vector<16xf32>
      %parallel_loop3A_342 = arith.addf %parallel_loop3A_340, %parallel_loop3A_341 : vector<16xf32>
      %parallel_loop3A_343 = arith.constant 0.000000e+00 : f32
      %parallel_loop3A_344 = vector.broadcast %parallel_loop3A_343 : f32 to vector<16xf32>
      %parallel_loop3A_345 = arith.maximumf %parallel_loop3A_322, %parallel_loop3A_344 : vector<16xf32>
      %parallel_loop3A_346 = arith.constant 3.100000e+01 : f32
      %parallel_loop3A_347 = vector.broadcast %parallel_loop3A_346 : f32 to vector<16xf32>
      %parallel_loop3A_348 = arith.minimumf %parallel_loop3A_345, %parallel_loop3A_347 : vector<16xf32>
      %parallel_loop3A_349 = arith.constant 0.000000e+00 : f32
      %parallel_loop3A_350 = vector.broadcast %parallel_loop3A_349 : f32 to vector<16xf32>
      %parallel_loop3A_351 = arith.maximumf %parallel_loop3A_332, %parallel_loop3A_350 : vector<16xf32>
      %parallel_loop3A_352 = arith.constant 3.100000e+01 : f32
      %parallel_loop3A_353 = vector.broadcast %parallel_loop3A_352 : f32 to vector<16xf32>
      %parallel_loop3A_354 = arith.minimumf %parallel_loop3A_351, %parallel_loop3A_353 : vector<16xf32>
      %parallel_loop3A_355 = arith.constant 0.000000e+00 : f32
      %parallel_loop3A_356 = vector.broadcast %parallel_loop3A_355 : f32 to vector<16xf32>
      %parallel_loop3A_357 = arith.maximumf %parallel_loop3A_342, %parallel_loop3A_356 : vector<16xf32>
      %parallel_loop3A_358 = arith.constant 3.100000e+01 : f32
      %parallel_loop3A_359 = vector.broadcast %parallel_loop3A_358 : f32 to vector<16xf32>
      %parallel_loop3A_360 = arith.minimumf %parallel_loop3A_357, %parallel_loop3A_359 : vector<16xf32>
      %parallel_loop3A_361 = arith.fptosi %parallel_loop3A_348 : vector<16xf32> to vector<16xi32>
      %parallel_loop3A_362 = arith.constant 1024 : i32
      %parallel_loop3A_363 = vector.broadcast %parallel_loop3A_362 : i32 to vector<16xi32>
      %parallel_loop3A_364 = arith.muli %parallel_loop3A_361, %parallel_loop3A_363 : vector<16xi32>
      %parallel_loop3A_365 = arith.fptosi %parallel_loop3A_354 : vector<16xf32> to vector<16xi32>
      %parallel_loop3A_366 = arith.constant 32 : i32
      %parallel_loop3A_367 = vector.broadcast %parallel_loop3A_366 : i32 to vector<16xi32>
      %parallel_loop3A_368 = arith.muli %parallel_loop3A_365, %parallel_loop3A_367 : vector<16xi32>
      %parallel_loop3A_369 = arith.addi %parallel_loop3A_364, %parallel_loop3A_368 : vector<16xi32>
      %parallel_loop3A_370 = arith.fptosi %parallel_loop3A_360 : vector<16xf32> to vector<16xi32>
      %parallel_loop3A_371 = arith.addi %parallel_loop3A_369, %parallel_loop3A_370 : vector<16xi32>
      %parallel_loop3A_372 = arith.constant 16 : i32
      %parallel_loop3A_373 = arith.muli %parallel_loop3A_299, %parallel_loop3A_372 : i32
      %parallel_loop3A_374 = arith.constant 0 : i32
      %parallel_loop3A_375 = arith.addi %parallel_loop3A_374, %parallel_loop3A_373 : i32
      %parallel_loop3A_376 = arith.index_cast %parallel_loop3A_375 : i32 to index
      %parallel_loop3A_377 = tpu.vector_load %arg16[%parallel_loop3A_376] {strides = array<i32>} : memref<9408xf32, #tpu.memory_space<vmem>>, vector<16xf32>,
      tpu.vector_store %arg16[%parallel_loop3A_376], %parallel_loop3A_322 {strides = array<i32>} : memref<9408xf32, #tpu.memory_space<vmem>>, vector<16xf32>,
      %parallel_loop3A_378 = arith.index_cast %parallel_loop3A_375 : i32 to index
      %parallel_loop3A_379 = tpu.vector_load %arg17[%parallel_loop3A_378] {strides = array<i32>} : memref<9408xf32, #tpu.memory_space<vmem>>, vector<16xf32>,
      tpu.vector_store %arg17[%parallel_loop3A_378], %parallel_loop3A_332 {strides = array<i32>} : memref<9408xf32, #tpu.memory_space<vmem>>, vector<16xf32>,
      %parallel_loop3A_380 = arith.index_cast %parallel_loop3A_375 : i32 to index
      %parallel_loop3A_381 = tpu.vector_load %arg18[%parallel_loop3A_380] {strides = array<i32>} : memref<9408xf32, #tpu.memory_space<vmem>>, vector<16xf32>,
      tpu.vector_store %arg18[%parallel_loop3A_380], %parallel_loop3A_342 {strides = array<i32>} : memref<9408xf32, #tpu.memory_space<vmem>>, vector<16xf32>,
      %parallel_loop3A_382 = arith.index_cast %parallel_loop3A_375 : i32 to index
      %parallel_loop3A_383 = tpu.vector_load %arg19[%parallel_loop3A_382] {strides = array<i32>} : memref<9408xi32, #tpu.memory_space<vmem>>, vector<16xi32>,
      tpu.vector_store %arg19[%parallel_loop3A_382], %parallel_loop3A_371 {strides = array<i32>} : memref<9408xi32, #tpu.memory_space<vmem>>, vector<16xi32>,
      %parallel_loop3A_384 = vector.broadcast %add3A_118 : f32 to vector<16xf32>
      %parallel_loop3A_385 = arith.mulf %parallel_loop3A_384, %parallel_loop3A_304 : vector<16xf32>
      %parallel_loop3A_386 = vector.broadcast %mul3A_120 : f32 to vector<16xf32>
      %parallel_loop3A_387 = arith.mulf %parallel_loop3A_386, %parallel_loop3A_308 : vector<16xf32>
      %parallel_loop3A_388 = arith.addf %parallel_loop3A_385, %parallel_loop3A_387 : vector<16xf32>
      %parallel_loop3A_389 = vector.broadcast %mul3A_122 : f32 to vector<16xf32>
      %parallel_loop3A_390 = arith.mulf %parallel_loop3A_389, %parallel_loop3A_312 : vector<16xf32>
      %parallel_loop3A_391 = arith.addf %parallel_loop3A_388, %parallel_loop3A_390 : vector<16xf32>
      %parallel_loop3A_392 = vector.broadcast %add3A_140 : f32 to vector<16xf32>
      %parallel_loop3A_393 = arith.addf %parallel_loop3A_391, %parallel_loop3A_392 : vector<16xf32>
      %parallel_loop3A_394 = vector.broadcast %mul3A_124 : f32 to vector<16xf32>
      %parallel_loop3A_395 = arith.mulf %parallel_loop3A_394, %parallel_loop3A_304 : vector<16xf32>
      %parallel_loop3A_396 = vector.broadcast %add3A_128 : f32 to vector<16xf32>
      %parallel_loop3A_397 = arith.mulf %parallel_loop3A_396, %parallel_loop3A_308 : vector<16xf32>
      %parallel_loop3A_398 = arith.addf %parallel_loop3A_395, %parallel_loop3A_397 : vector<16xf32>
      %parallel_loop3A_399 = vector.broadcast %mul3A_130 : f32 to vector<16xf32>
      %parallel_loop3A_400 = arith.mulf %parallel_loop3A_399, %parallel_loop3A_312 : vector<16xf32>
      %parallel_loop3A_401 = arith.addf %parallel_loop3A_398, %parallel_loop3A_400 : vector<16xf32>
      %parallel_loop3A_402 = vector.broadcast %add3A_142 : f32 to vector<16xf32>
      %parallel_loop3A_403 = arith.addf %parallel_loop3A_401, %parallel_loop3A_402 : vector<16xf32>
      %parallel_loop3A_404 = vector.broadcast %mul3A_132 : f32 to vector<16xf32>
      %parallel_loop3A_405 = arith.mulf %parallel_loop3A_404, %parallel_loop3A_304 : vector<16xf32>
      %parallel_loop3A_406 = vector.broadcast %mul3A_134 : f32 to vector<16xf32>
      %parallel_loop3A_407 = arith.mulf %parallel_loop3A_406, %parallel_loop3A_308 : vector<16xf32>
      %parallel_loop3A_408 = arith.addf %parallel_loop3A_405, %parallel_loop3A_407 : vector<16xf32>
      %parallel_loop3A_409 = vector.broadcast %add3A_138 : f32 to vector<16xf32>
      %parallel_loop3A_410 = arith.mulf %parallel_loop3A_409, %parallel_loop3A_312 : vector<16xf32>
      %parallel_loop3A_411 = arith.addf %parallel_loop3A_408, %parallel_loop3A_410 : vector<16xf32>
      %parallel_loop3A_412 = vector.broadcast %add3A_144 : f32 to vector<16xf32>
      %parallel_loop3A_413 = arith.addf %parallel_loop3A_411, %parallel_loop3A_412 : vector<16xf32>
      %parallel_loop3A_414 = arith.constant 0.000000e+00 : f32
      %parallel_loop3A_415 = vector.broadcast %parallel_loop3A_414 : f32 to vector<16xf32>
      %parallel_loop3A_416 = arith.maximumf %parallel_loop3A_393, %parallel_loop3A_415 : vector<16xf32>
      %parallel_loop3A_417 = arith.constant 3.100000e+01 : f32
      %parallel_loop3A_418 = vector.broadcast %parallel_loop3A_417 : f32 to vector<16xf32>
      %parallel_loop3A_419 = arith.minimumf %parallel_loop3A_416, %parallel_loop3A_418 : vector<16xf32>
      %parallel_loop3A_420 = arith.constant 0.000000e+00 : f32
      %parallel_loop3A_421 = vector.broadcast %parallel_loop3A_420 : f32 to vector<16xf32>
      %parallel_loop3A_422 = arith.maximumf %parallel_loop3A_403, %parallel_loop3A_421 : vector<16xf32>
      %parallel_loop3A_423 = arith.constant 3.100000e+01 : f32
      %parallel_loop3A_424 = vector.broadcast %parallel_loop3A_423 : f32 to vector<16xf32>
      %parallel_loop3A_425 = arith.minimumf %parallel_loop3A_422, %parallel_loop3A_424 : vector<16xf32>
      %parallel_loop3A_426 = arith.constant 0.000000e+00 : f32
      %parallel_loop3A_427 = vector.broadcast %parallel_loop3A_426 : f32 to vector<16xf32>
      %parallel_loop3A_428 = arith.maximumf %parallel_loop3A_413, %parallel_loop3A_427 : vector<16xf32>
      %parallel_loop3A_429 = arith.constant 3.100000e+01 : f32
      %parallel_loop3A_430 = vector.broadcast %parallel_loop3A_429 : f32 to vector<16xf32>
      %parallel_loop3A_431 = arith.minimumf %parallel_loop3A_428, %parallel_loop3A_430 : vector<16xf32>
      %parallel_loop3A_432 = arith.fptosi %parallel_loop3A_419 : vector<16xf32> to vector<16xi32>
      %parallel_loop3A_433 = arith.constant 1024 : i32
      %parallel_loop3A_434 = vector.broadcast %parallel_loop3A_433 : i32 to vector<16xi32>
      %parallel_loop3A_435 = arith.muli %parallel_loop3A_432, %parallel_loop3A_434 : vector<16xi32>
      %parallel_loop3A_436 = arith.fptosi %parallel_loop3A_425 : vector<16xf32> to vector<16xi32>
      %parallel_loop3A_437 = arith.constant 32 : i32
      %parallel_loop3A_438 = vector.broadcast %parallel_loop3A_437 : i32 to vector<16xi32>
      %parallel_loop3A_439 = arith.muli %parallel_loop3A_436, %parallel_loop3A_438 : vector<16xi32>
      %parallel_loop3A_440 = arith.addi %parallel_loop3A_435, %parallel_loop3A_439 : vector<16xi32>
      %parallel_loop3A_441 = arith.fptosi %parallel_loop3A_431 : vector<16xf32> to vector<16xi32>
      %parallel_loop3A_442 = arith.addi %parallel_loop3A_440, %parallel_loop3A_441 : vector<16xi32>
      %parallel_loop3A_443 = arith.constant 16 : i32
      %parallel_loop3A_444 = arith.muli %parallel_loop3A_299, %parallel_loop3A_443 : i32
      %parallel_loop3A_445 = arith.constant 3136 : i32
      %parallel_loop3A_446 = arith.addi %parallel_loop3A_445, %parallel_loop3A_444 : i32
      %parallel_loop3A_447 = arith.index_cast %parallel_loop3A_446 : i32 to index
      %parallel_loop3A_448 = tpu.vector_load %arg16[%parallel_loop3A_447] {strides = array<i32>} : memref<9408xf32, #tpu.memory_space<vmem>>, vector<16xf32>,
      tpu.vector_store %arg16[%parallel_loop3A_447], %parallel_loop3A_393 {strides = array<i32>} : memref<9408xf32, #tpu.memory_space<vmem>>, vector<16xf32>,
      %parallel_loop3A_449 = arith.index_cast %parallel_loop3A_446 : i32 to index
      %parallel_loop3A_450 = tpu.vector_load %arg17[%parallel_loop3A_449] {strides = array<i32>} : memref<9408xf32, #tpu.memory_space<vmem>>, vector<16xf32>,
      tpu.vector_store %arg17[%parallel_loop3A_449], %parallel_loop3A_403 {strides = array<i32>} : memref<9408xf32, #tpu.memory_space<vmem>>, vector<16xf32>,
      %parallel_loop3A_451 = arith.index_cast %parallel_loop3A_446 : i32 to index
      %parallel_loop3A_452 = tpu.vector_load %arg18[%parallel_loop3A_451] {strides = array<i32>} : memref<9408xf32, #tpu.memory_space<vmem>>, vector<16xf32>,
      tpu.vector_store %arg18[%parallel_loop3A_451], %parallel_loop3A_413 {strides = array<i32>} : memref<9408xf32, #tpu.memory_space<vmem>>, vector<16xf32>,
      %parallel_loop3A_453 = arith.index_cast %parallel_loop3A_446 : i32 to index
      %parallel_loop3A_454 = tpu.vector_load %arg19[%parallel_loop3A_453] {strides = array<i32>} : memref<9408xi32, #tpu.memory_space<vmem>>, vector<16xi32>,
      tpu.vector_store %arg19[%parallel_loop3A_453], %parallel_loop3A_442 {strides = array<i32>} : memref<9408xi32, #tpu.memory_space<vmem>>, vector<16xi32>,
      %parallel_loop3A_455 = vector.broadcast %add3A_174 : f32 to vector<16xf32>
      %parallel_loop3A_456 = arith.mulf %parallel_loop3A_455, %parallel_loop3A_304 : vector<16xf32>
      %parallel_loop3A_457 = vector.broadcast %mul3A_176 : f32 to vector<16xf32>
      %parallel_loop3A_458 = arith.mulf %parallel_loop3A_457, %parallel_loop3A_308 : vector<16xf32>
      %parallel_loop3A_459 = arith.addf %parallel_loop3A_456, %parallel_loop3A_458 : vector<16xf32>
      %parallel_loop3A_460 = vector.broadcast %mul3A_178 : f32 to vector<16xf32>
      %parallel_loop3A_461 = arith.mulf %parallel_loop3A_460, %parallel_loop3A_312 : vector<16xf32>
      %parallel_loop3A_462 = arith.addf %parallel_loop3A_459, %parallel_loop3A_461 : vector<16xf32>
      %parallel_loop3A_463 = vector.broadcast %add3A_196 : f32 to vector<16xf32>
      %parallel_loop3A_464 = arith.addf %parallel_loop3A_462, %parallel_loop3A_463 : vector<16xf32>
      %parallel_loop3A_465 = vector.broadcast %mul3A_180 : f32 to vector<16xf32>
      %parallel_loop3A_466 = arith.mulf %parallel_loop3A_465, %parallel_loop3A_304 : vector<16xf32>
      %parallel_loop3A_467 = vector.broadcast %add3A_184 : f32 to vector<16xf32>
      %parallel_loop3A_468 = arith.mulf %parallel_loop3A_467, %parallel_loop3A_308 : vector<16xf32>
      %parallel_loop3A_469 = arith.addf %parallel_loop3A_466, %parallel_loop3A_468 : vector<16xf32>
      %parallel_loop3A_470 = vector.broadcast %mul3A_186 : f32 to vector<16xf32>
      %parallel_loop3A_471 = arith.mulf %parallel_loop3A_470, %parallel_loop3A_312 : vector<16xf32>
      %parallel_loop3A_472 = arith.addf %parallel_loop3A_469, %parallel_loop3A_471 : vector<16xf32>
      %parallel_loop3A_473 = vector.broadcast %add3A_198 : f32 to vector<16xf32>
      %parallel_loop3A_474 = arith.addf %parallel_loop3A_472, %parallel_loop3A_473 : vector<16xf32>
      %parallel_loop3A_475 = vector.broadcast %mul3A_188 : f32 to vector<16xf32>
      %parallel_loop3A_476 = arith.mulf %parallel_loop3A_475, %parallel_loop3A_304 : vector<16xf32>
      %parallel_loop3A_477 = vector.broadcast %mul3A_190 : f32 to vector<16xf32>
      %parallel_loop3A_478 = arith.mulf %parallel_loop3A_477, %parallel_loop3A_308 : vector<16xf32>
      %parallel_loop3A_479 = arith.addf %parallel_loop3A_476, %parallel_loop3A_478 : vector<16xf32>
      %parallel_loop3A_480 = vector.broadcast %add3A_194 : f32 to vector<16xf32>
      %parallel_loop3A_481 = arith.mulf %parallel_loop3A_480, %parallel_loop3A_312 : vector<16xf32>
      %parallel_loop3A_482 = arith.addf %parallel_loop3A_479, %parallel_loop3A_481 : vector<16xf32>
      %parallel_loop3A_483 = vector.broadcast %add3A_200 : f32 to vector<16xf32>
      %parallel_loop3A_484 = arith.addf %parallel_loop3A_482, %parallel_loop3A_483 : vector<16xf32>
      %parallel_loop3A_485 = arith.constant 0.000000e+00 : f32
      %parallel_loop3A_486 = vector.broadcast %parallel_loop3A_485 : f32 to vector<16xf32>
      %parallel_loop3A_487 = arith.maximumf %parallel_loop3A_464, %parallel_loop3A_486 : vector<16xf32>
      %parallel_loop3A_488 = arith.constant 3.100000e+01 : f32
      %parallel_loop3A_489 = vector.broadcast %parallel_loop3A_488 : f32 to vector<16xf32>
      %parallel_loop3A_490 = arith.minimumf %parallel_loop3A_487, %parallel_loop3A_489 : vector<16xf32>
      %parallel_loop3A_491 = arith.constant 0.000000e+00 : f32
      %parallel_loop3A_492 = vector.broadcast %parallel_loop3A_491 : f32 to vector<16xf32>
      %parallel_loop3A_493 = arith.maximumf %parallel_loop3A_474, %parallel_loop3A_492 : vector<16xf32>
      %parallel_loop3A_494 = arith.constant 3.100000e+01 : f32
      %parallel_loop3A_495 = vector.broadcast %parallel_loop3A_494 : f32 to vector<16xf32>
      %parallel_loop3A_496 = arith.minimumf %parallel_loop3A_493, %parallel_loop3A_495 : vector<16xf32>
      %parallel_loop3A_497 = arith.constant 0.000000e+00 : f32
      %parallel_loop3A_498 = vector.broadcast %parallel_loop3A_497 : f32 to vector<16xf32>
      %parallel_loop3A_499 = arith.maximumf %parallel_loop3A_484, %parallel_loop3A_498 : vector<16xf32>
      %parallel_loop3A_500 = arith.constant 3.100000e+01 : f32
      %parallel_loop3A_501 = vector.broadcast %parallel_loop3A_500 : f32 to vector<16xf32>
      %parallel_loop3A_502 = arith.minimumf %parallel_loop3A_499, %parallel_loop3A_501 : vector<16xf32>
      %parallel_loop3A_503 = arith.fptosi %parallel_loop3A_490 : vector<16xf32> to vector<16xi32>
      %parallel_loop3A_504 = arith.constant 1024 : i32
      %parallel_loop3A_505 = vector.broadcast %parallel_loop3A_504 : i32 to vector<16xi32>
      %parallel_loop3A_506 = arith.muli %parallel_loop3A_503, %parallel_loop3A_505 : vector<16xi32>
      %parallel_loop3A_507 = arith.fptosi %parallel_loop3A_496 : vector<16xf32> to vector<16xi32>
      %parallel_loop3A_508 = arith.constant 32 : i32
      %parallel_loop3A_509 = vector.broadcast %parallel_loop3A_508 : i32 to vector<16xi32>
      %parallel_loop3A_510 = arith.muli %parallel_loop3A_507, %parallel_loop3A_509 : vector<16xi32>
      %parallel_loop3A_511 = arith.addi %parallel_loop3A_506, %parallel_loop3A_510 : vector<16xi32>
      %parallel_loop3A_512 = arith.fptosi %parallel_loop3A_502 : vector<16xf32> to vector<16xi32>
      %parallel_loop3A_513 = arith.addi %parallel_loop3A_511, %parallel_loop3A_512 : vector<16xi32>
      %parallel_loop3A_514 = arith.constant 16 : i32
      %parallel_loop3A_515 = arith.muli %parallel_loop3A_299, %parallel_loop3A_514 : i32
      %parallel_loop3A_516 = arith.constant 6272 : i32
      %parallel_loop3A_517 = arith.addi %parallel_loop3A_516, %parallel_loop3A_515 : i32
      %parallel_loop3A_518 = arith.index_cast %parallel_loop3A_517 : i32 to index
      %parallel_loop3A_519 = tpu.vector_load %arg16[%parallel_loop3A_518] {strides = array<i32>} : memref<9408xf32, #tpu.memory_space<vmem>>, vector<16xf32>,
      tpu.vector_store %arg16[%parallel_loop3A_518], %parallel_loop3A_464 {strides = array<i32>} : memref<9408xf32, #tpu.memory_space<vmem>>, vector<16xf32>,
      %parallel_loop3A_520 = arith.index_cast %parallel_loop3A_517 : i32 to index
      %parallel_loop3A_521 = tpu.vector_load %arg17[%parallel_loop3A_520] {strides = array<i32>} : memref<9408xf32, #tpu.memory_space<vmem>>, vector<16xf32>,
      tpu.vector_store %arg17[%parallel_loop3A_520], %parallel_loop3A_474 {strides = array<i32>} : memref<9408xf32, #tpu.memory_space<vmem>>, vector<16xf32>,
      %parallel_loop3A_522 = arith.index_cast %parallel_loop3A_517 : i32 to index
      %parallel_loop3A_523 = tpu.vector_load %arg18[%parallel_loop3A_522] {strides = array<i32>} : memref<9408xf32, #tpu.memory_space<vmem>>, vector<16xf32>,
      tpu.vector_store %arg18[%parallel_loop3A_522], %parallel_loop3A_484 {strides = array<i32>} : memref<9408xf32, #tpu.memory_space<vmem>>, vector<16xf32>,
      %parallel_loop3A_524 = arith.index_cast %parallel_loop3A_517 : i32 to index
      %parallel_loop3A_525 = tpu.vector_load %arg19[%parallel_loop3A_524] {strides = array<i32>} : memref<9408xi32, #tpu.memory_space<vmem>>, vector<16xi32>,
      tpu.vector_store %arg19[%parallel_loop3A_524], %parallel_loop3A_513 {strides = array<i32>} : memref<9408xi32, #tpu.memory_space<vmem>>, vector<16xi32>,
      scf.yield %parallel_loop3A_300 : i32
    } {sc.loop_unroll_factor = 1 : i64, sc.parallel_access}
    tpu.wait_dma2 semaphore(%arg20 : memref<!tpu.dma_semaphore, #tpu.memory_space<semaphore_mem>>) src(%arg6 : memref<32768xi32, #tpu.memory_space<hbm>>) dst(%arg13 : memref<32768xi32, #tpu.memory_space<vmem>>)
    tpu.wait_dma2 semaphore(%arg20 : memref<!tpu.dma_semaphore, #tpu.memory_space<semaphore_mem>>) src(%arg7 : memref<32768xf32, #tpu.memory_space<hbm>>) dst(%arg14 : memref<32768xf32, #tpu.memory_space<vmem>>)
    %broadcast_in_dim3A_290 = arith.constant 0.000000e+00 : f32
    %broadcast_in_dim3A_291 = vector.broadcast %broadcast_in_dim3A_290 : f32 to vector<16xf32>
    %parallel_loop3A_292 = arith.constant 0 : i32
    %parallel_loop3A_293 = arith.constant 1 : i32
    %parallel_loop3A_294 = scf.for %parallel_loop3A_299 = %parallel_loop3A_292 to %min3A_28 step %parallel_loop3A_293 iter_args(%parallel_loop3A_300 = %broadcast_in_dim3A_291) -> (vector<16xf32>)  : i32 {
      %parallel_loop3A_301 = arith.constant 16 : i32
      %parallel_loop3A_302 = arith.muli %parallel_loop3A_299, %parallel_loop3A_301 : i32
      %parallel_loop3A_303 = arith.index_cast %parallel_loop3A_302 : i32 to index
      %parallel_loop3A_304 = tpu.vector_load %arg10[%parallel_loop3A_303] {strides = array<i32>} : memref<3136xf32, #tpu.memory_space<vmem>>, vector<16xf32>,
      %parallel_loop3A_305 = arith.constant 16 : i32
      %parallel_loop3A_306 = arith.muli %parallel_loop3A_299, %parallel_loop3A_305 : i32
      %parallel_loop3A_307 = arith.index_cast %parallel_loop3A_306 : i32 to index
      %parallel_loop3A_308 = tpu.vector_load %arg11[%parallel_loop3A_307] {strides = array<i32>} : memref<3136xf32, #tpu.memory_space<vmem>>, vector<16xf32>,
      %parallel_loop3A_309 = arith.constant 16 : i32
      %parallel_loop3A_310 = arith.muli %parallel_loop3A_299, %parallel_loop3A_309 : i32
      %parallel_loop3A_311 = arith.index_cast %parallel_loop3A_310 : i32 to index
      %parallel_loop3A_312 = tpu.vector_load %arg12[%parallel_loop3A_311] {strides = array<i32>} : memref<3136xf32, #tpu.memory_space<vmem>>, vector<16xf32>,
      %parallel_loop3A_313 = arith.constant 16 : i32
      %parallel_loop3A_314 = arith.muli %parallel_loop3A_299, %parallel_loop3A_313 : i32
      %parallel_loop3A_315 = arith.constant 0 : i32
      %parallel_loop3A_316 = arith.addi %parallel_loop3A_315, %parallel_loop3A_314 : i32
      %parallel_loop3A_317 = arith.index_cast %parallel_loop3A_316 : i32 to index
      %parallel_loop3A_318 = tpu.vector_load %arg16[%parallel_loop3A_317] {strides = array<i32>} : memref<9408xf32, #tpu.memory_space<vmem>>, vector<16xf32>,
      %parallel_loop3A_319 = arith.index_cast %parallel_loop3A_316 : i32 to index
      %parallel_loop3A_320 = tpu.vector_load %arg17[%parallel_loop3A_319] {strides = array<i32>} : memref<9408xf32, #tpu.memory_space<vmem>>, vector<16xf32>,
      %parallel_loop3A_321 = arith.index_cast %parallel_loop3A_316 : i32 to index
      %parallel_loop3A_322 = tpu.vector_load %arg18[%parallel_loop3A_321] {strides = array<i32>} : memref<9408xf32, #tpu.memory_space<vmem>>, vector<16xf32>,
      %parallel_loop3A_323 = arith.index_cast %parallel_loop3A_316 : i32 to index
      %parallel_loop3A_324 = tpu.vector_load %arg19[%parallel_loop3A_323] {strides = array<i32>} : memref<9408xi32, #tpu.memory_space<vmem>>, vector<16xi32>,
      %parallel_loop3A_325 = tpu.vector_load_idx %arg13[%parallel_loop3A_324] : memref<32768xi32, #tpu.memory_space<vmem>>[vector<16xi32>], vector<16xi32>,
      %parallel_loop3A_326 = tpu.vector_load_idx %arg14[%parallel_loop3A_324] : memref<32768xf32, #tpu.memory_space<vmem>>[vector<16xi32>], vector<16xf32>,
      %parallel_loop3A_327 = arith.constant 16 : i32
      %parallel_loop3A_328 = vector.broadcast %parallel_loop3A_327 : i32 to vector<16xi32>
      %parallel_loop3A_329 = arith.shli %parallel_loop3A_325, %parallel_loop3A_328 : vector<16xi32>
      %parallel_loop3A_330 = tpu.bitcast %parallel_loop3A_329 : vector<16xi32> -> vector<16xf32>
      %parallel_loop3A_331 = arith.constant -65536 : i32
      %parallel_loop3A_332 = vector.broadcast %parallel_loop3A_331 : i32 to vector<16xi32>
      %parallel_loop3A_333 = arith.andi %parallel_loop3A_325, %parallel_loop3A_332 : vector<16xi32>
      %parallel_loop3A_334 = tpu.bitcast %parallel_loop3A_333 : vector<16xi32> -> vector<16xf32>
      %parallel_loop3A_335 = arith.subf %parallel_loop3A_318, %parallel_loop3A_330 : vector<16xf32>
      %parallel_loop3A_336 = arith.subf %parallel_loop3A_320, %parallel_loop3A_334 : vector<16xf32>
      %parallel_loop3A_337 = arith.subf %parallel_loop3A_322, %parallel_loop3A_326 : vector<16xf32>
      %parallel_loop3A_338 = arith.mulf %parallel_loop3A_335, %parallel_loop3A_335 : vector<16xf32>
      %parallel_loop3A_339 = arith.mulf %parallel_loop3A_336, %parallel_loop3A_336 : vector<16xf32>
      %parallel_loop3A_340 = arith.addf %parallel_loop3A_338, %parallel_loop3A_339 : vector<16xf32>
      %parallel_loop3A_341 = arith.mulf %parallel_loop3A_337, %parallel_loop3A_337 : vector<16xf32>
      %parallel_loop3A_342 = arith.addf %parallel_loop3A_340, %parallel_loop3A_341 : vector<16xf32>
      %parallel_loop3A_343 = tpu.bitcast %parallel_loop3A_342 : vector<16xf32> -> vector<16xi32>
      %parallel_loop3A_344 = arith.constant 1 : i32
      %parallel_loop3A_345 = vector.broadcast %parallel_loop3A_344 : i32 to vector<16xi32>
      %parallel_loop3A_346 = arith.shrsi %parallel_loop3A_343, %parallel_loop3A_345 : vector<16xi32>
      %parallel_loop3A_347 = arith.constant 1597463007 : i32
      %parallel_loop3A_348 = vector.broadcast %parallel_loop3A_347 : i32 to vector<16xi32>
      %parallel_loop3A_349 = arith.subi %parallel_loop3A_348, %parallel_loop3A_346 : vector<16xi32>
      %parallel_loop3A_350 = tpu.bitcast %parallel_loop3A_349 : vector<16xi32> -> vector<16xf32>
      %parallel_loop3A_351 = arith.constant 5.000000e-01 : f32
      %parallel_loop3A_352 = vector.broadcast %parallel_loop3A_351 : f32 to vector<16xf32>
      %parallel_loop3A_353 = arith.mulf %parallel_loop3A_352, %parallel_loop3A_342 : vector<16xf32>
      %parallel_loop3A_354 = arith.mulf %parallel_loop3A_353, %parallel_loop3A_350 : vector<16xf32>
      %parallel_loop3A_355 = arith.mulf %parallel_loop3A_354, %parallel_loop3A_350 : vector<16xf32>
      %parallel_loop3A_356 = arith.constant 1.500000e+00 : f32
      %parallel_loop3A_357 = vector.broadcast %parallel_loop3A_356 : f32 to vector<16xf32>
      %parallel_loop3A_358 = arith.subf %parallel_loop3A_357, %parallel_loop3A_355 : vector<16xf32>
      %parallel_loop3A_359 = arith.mulf %parallel_loop3A_350, %parallel_loop3A_358 : vector<16xf32>
      %parallel_loop3A_360 = arith.mulf %parallel_loop3A_342, %parallel_loop3A_359 : vector<16xf32>
      %parallel_loop3A_361 = arith.addf %parallel_loop3A_300, %parallel_loop3A_360 : vector<16xf32>
      %parallel_loop3A_362 = arith.constant 16 : i32
      %parallel_loop3A_363 = arith.muli %parallel_loop3A_299, %parallel_loop3A_362 : i32
      %parallel_loop3A_364 = arith.constant 3136 : i32
      %parallel_loop3A_365 = arith.addi %parallel_loop3A_364, %parallel_loop3A_363 : i32
      %parallel_loop3A_366 = arith.index_cast %parallel_loop3A_365 : i32 to index
      %parallel_loop3A_367 = tpu.vector_load %arg16[%parallel_loop3A_366] {strides = array<i32>} : memref<9408xf32, #tpu.memory_space<vmem>>, vector<16xf32>,
      %parallel_loop3A_368 = arith.index_cast %parallel_loop3A_365 : i32 to index
      %parallel_loop3A_369 = tpu.vector_load %arg17[%parallel_loop3A_368] {strides = array<i32>} : memref<9408xf32, #tpu.memory_space<vmem>>, vector<16xf32>,
      %parallel_loop3A_370 = arith.index_cast %parallel_loop3A_365 : i32 to index
      %parallel_loop3A_371 = tpu.vector_load %arg18[%parallel_loop3A_370] {strides = array<i32>} : memref<9408xf32, #tpu.memory_space<vmem>>, vector<16xf32>,
      %parallel_loop3A_372 = arith.index_cast %parallel_loop3A_365 : i32 to index
      %parallel_loop3A_373 = tpu.vector_load %arg19[%parallel_loop3A_372] {strides = array<i32>} : memref<9408xi32, #tpu.memory_space<vmem>>, vector<16xi32>,
      %parallel_loop3A_374 = tpu.vector_load_idx %arg13[%parallel_loop3A_373] : memref<32768xi32, #tpu.memory_space<vmem>>[vector<16xi32>], vector<16xi32>,
      %parallel_loop3A_375 = tpu.vector_load_idx %arg14[%parallel_loop3A_373] : memref<32768xf32, #tpu.memory_space<vmem>>[vector<16xi32>], vector<16xf32>,
      %parallel_loop3A_376 = arith.constant 16 : i32
      %parallel_loop3A_377 = vector.broadcast %parallel_loop3A_376 : i32 to vector<16xi32>
      %parallel_loop3A_378 = arith.shli %parallel_loop3A_374, %parallel_loop3A_377 : vector<16xi32>
      %parallel_loop3A_379 = tpu.bitcast %parallel_loop3A_378 : vector<16xi32> -> vector<16xf32>
      %parallel_loop3A_380 = arith.constant -65536 : i32
      %parallel_loop3A_381 = vector.broadcast %parallel_loop3A_380 : i32 to vector<16xi32>
      %parallel_loop3A_382 = arith.andi %parallel_loop3A_374, %parallel_loop3A_381 : vector<16xi32>
      %parallel_loop3A_383 = tpu.bitcast %parallel_loop3A_382 : vector<16xi32> -> vector<16xf32>
      %parallel_loop3A_384 = arith.subf %parallel_loop3A_367, %parallel_loop3A_379 : vector<16xf32>
      %parallel_loop3A_385 = arith.subf %parallel_loop3A_369, %parallel_loop3A_383 : vector<16xf32>
      %parallel_loop3A_386 = arith.subf %parallel_loop3A_371, %parallel_loop3A_375 : vector<16xf32>
      %parallel_loop3A_387 = arith.mulf %parallel_loop3A_384, %parallel_loop3A_384 : vector<16xf32>
      %parallel_loop3A_388 = arith.mulf %parallel_loop3A_385, %parallel_loop3A_385 : vector<16xf32>
      %parallel_loop3A_389 = arith.addf %parallel_loop3A_387, %parallel_loop3A_388 : vector<16xf32>
      %parallel_loop3A_390 = arith.mulf %parallel_loop3A_386, %parallel_loop3A_386 : vector<16xf32>
      %parallel_loop3A_391 = arith.addf %parallel_loop3A_389, %parallel_loop3A_390 : vector<16xf32>
      %parallel_loop3A_392 = tpu.bitcast %parallel_loop3A_391 : vector<16xf32> -> vector<16xi32>
      %parallel_loop3A_393 = arith.constant 1 : i32
      %parallel_loop3A_394 = vector.broadcast %parallel_loop3A_393 : i32 to vector<16xi32>
      %parallel_loop3A_395 = arith.shrsi %parallel_loop3A_392, %parallel_loop3A_394 : vector<16xi32>
      %parallel_loop3A_396 = arith.constant 1597463007 : i32
      %parallel_loop3A_397 = vector.broadcast %parallel_loop3A_396 : i32 to vector<16xi32>
      %parallel_loop3A_398 = arith.subi %parallel_loop3A_397, %parallel_loop3A_395 : vector<16xi32>
      %parallel_loop3A_399 = tpu.bitcast %parallel_loop3A_398 : vector<16xi32> -> vector<16xf32>
      %parallel_loop3A_400 = arith.constant 5.000000e-01 : f32
      %parallel_loop3A_401 = vector.broadcast %parallel_loop3A_400 : f32 to vector<16xf32>
      %parallel_loop3A_402 = arith.mulf %parallel_loop3A_401, %parallel_loop3A_391 : vector<16xf32>
      %parallel_loop3A_403 = arith.mulf %parallel_loop3A_402, %parallel_loop3A_399 : vector<16xf32>
      %parallel_loop3A_404 = arith.mulf %parallel_loop3A_403, %parallel_loop3A_399 : vector<16xf32>
      %parallel_loop3A_405 = arith.constant 1.500000e+00 : f32
      %parallel_loop3A_406 = vector.broadcast %parallel_loop3A_405 : f32 to vector<16xf32>
      %parallel_loop3A_407 = arith.subf %parallel_loop3A_406, %parallel_loop3A_404 : vector<16xf32>
      %parallel_loop3A_408 = arith.mulf %parallel_loop3A_399, %parallel_loop3A_407 : vector<16xf32>
      %parallel_loop3A_409 = arith.mulf %parallel_loop3A_391, %parallel_loop3A_408 : vector<16xf32>
      %parallel_loop3A_410 = arith.addf %parallel_loop3A_361, %parallel_loop3A_409 : vector<16xf32>
      %parallel_loop3A_411 = arith.constant 16 : i32
      %parallel_loop3A_412 = arith.muli %parallel_loop3A_299, %parallel_loop3A_411 : i32
      %parallel_loop3A_413 = arith.constant 6272 : i32
      %parallel_loop3A_414 = arith.addi %parallel_loop3A_413, %parallel_loop3A_412 : i32
      %parallel_loop3A_415 = arith.index_cast %parallel_loop3A_414 : i32 to index
      %parallel_loop3A_416 = tpu.vector_load %arg16[%parallel_loop3A_415] {strides = array<i32>} : memref<9408xf32, #tpu.memory_space<vmem>>, vector<16xf32>,
      %parallel_loop3A_417 = arith.index_cast %parallel_loop3A_414 : i32 to index
      %parallel_loop3A_418 = tpu.vector_load %arg17[%parallel_loop3A_417] {strides = array<i32>} : memref<9408xf32, #tpu.memory_space<vmem>>, vector<16xf32>,
      %parallel_loop3A_419 = arith.index_cast %parallel_loop3A_414 : i32 to index
      %parallel_loop3A_420 = tpu.vector_load %arg18[%parallel_loop3A_419] {strides = array<i32>} : memref<9408xf32, #tpu.memory_space<vmem>>, vector<16xf32>,
      %parallel_loop3A_421 = arith.index_cast %parallel_loop3A_414 : i32 to index
      %parallel_loop3A_422 = tpu.vector_load %arg19[%parallel_loop3A_421] {strides = array<i32>} : memref<9408xi32, #tpu.memory_space<vmem>>, vector<16xi32>,
      %parallel_loop3A_423 = tpu.vector_load_idx %arg13[%parallel_loop3A_422] : memref<32768xi32, #tpu.memory_space<vmem>>[vector<16xi32>], vector<16xi32>,
      %parallel_loop3A_424 = tpu.vector_load_idx %arg14[%parallel_loop3A_422] : memref<32768xf32, #tpu.memory_space<vmem>>[vector<16xi32>], vector<16xf32>,
      %parallel_loop3A_425 = arith.constant 16 : i32
      %parallel_loop3A_426 = vector.broadcast %parallel_loop3A_425 : i32 to vector<16xi32>
      %parallel_loop3A_427 = arith.shli %parallel_loop3A_423, %parallel_loop3A_426 : vector<16xi32>
      %parallel_loop3A_428 = tpu.bitcast %parallel_loop3A_427 : vector<16xi32> -> vector<16xf32>
      %parallel_loop3A_429 = arith.constant -65536 : i32
      %parallel_loop3A_430 = vector.broadcast %parallel_loop3A_429 : i32 to vector<16xi32>
      %parallel_loop3A_431 = arith.andi %parallel_loop3A_423, %parallel_loop3A_430 : vector<16xi32>
      %parallel_loop3A_432 = tpu.bitcast %parallel_loop3A_431 : vector<16xi32> -> vector<16xf32>
      %parallel_loop3A_433 = arith.subf %parallel_loop3A_416, %parallel_loop3A_428 : vector<16xf32>
      %parallel_loop3A_434 = arith.subf %parallel_loop3A_418, %parallel_loop3A_432 : vector<16xf32>
      %parallel_loop3A_435 = arith.subf %parallel_loop3A_420, %parallel_loop3A_424 : vector<16xf32>
      %parallel_loop3A_436 = arith.mulf %parallel_loop3A_433, %parallel_loop3A_433 : vector<16xf32>
      %parallel_loop3A_437 = arith.mulf %parallel_loop3A_434, %parallel_loop3A_434 : vector<16xf32>
      %parallel_loop3A_438 = arith.addf %parallel_loop3A_436, %parallel_loop3A_437 : vector<16xf32>
      %parallel_loop3A_439 = arith.mulf %parallel_loop3A_435, %parallel_loop3A_435 : vector<16xf32>
      %parallel_loop3A_440 = arith.addf %parallel_loop3A_438, %parallel_loop3A_439 : vector<16xf32>
      %parallel_loop3A_441 = tpu.bitcast %parallel_loop3A_440 : vector<16xf32> -> vector<16xi32>
      %parallel_loop3A_442 = arith.constant 1 : i32
      %parallel_loop3A_443 = vector.broadcast %parallel_loop3A_442 : i32 to vector<16xi32>
      %parallel_loop3A_444 = arith.shrsi %parallel_loop3A_441, %parallel_loop3A_443 : vector<16xi32>
      %parallel_loop3A_445 = arith.constant 1597463007 : i32
      %parallel_loop3A_446 = vector.broadcast %parallel_loop3A_445 : i32 to vector<16xi32>
      %parallel_loop3A_447 = arith.subi %parallel_loop3A_446, %parallel_loop3A_444 : vector<16xi32>
      %parallel_loop3A_448 = tpu.bitcast %parallel_loop3A_447 : vector<16xi32> -> vector<16xf32>
      %parallel_loop3A_449 = arith.constant 5.000000e-01 : f32
      %parallel_loop3A_450 = vector.broadcast %parallel_loop3A_449 : f32 to vector<16xf32>
      %parallel_loop3A_451 = arith.mulf %parallel_loop3A_450, %parallel_loop3A_440 : vector<16xf32>
      %parallel_loop3A_452 = arith.mulf %parallel_loop3A_451, %parallel_loop3A_448 : vector<16xf32>
      %parallel_loop3A_453 = arith.mulf %parallel_loop3A_452, %parallel_loop3A_448 : vector<16xf32>
      %parallel_loop3A_454 = arith.constant 1.500000e+00 : f32
      %parallel_loop3A_455 = vector.broadcast %parallel_loop3A_454 : f32 to vector<16xf32>
      %parallel_loop3A_456 = arith.subf %parallel_loop3A_455, %parallel_loop3A_453 : vector<16xf32>
      %parallel_loop3A_457 = arith.mulf %parallel_loop3A_448, %parallel_loop3A_456 : vector<16xf32>
      %parallel_loop3A_458 = arith.mulf %parallel_loop3A_440, %parallel_loop3A_457 : vector<16xf32>
      %parallel_loop3A_459 = arith.addf %parallel_loop3A_410, %parallel_loop3A_458 : vector<16xf32>
      %parallel_loop3A_460 = vector.broadcast %mul3A_213 : f32 to vector<16xf32>
      %parallel_loop3A_461 = arith.mulf %parallel_loop3A_460, %parallel_loop3A_304 : vector<16xf32>
      %parallel_loop3A_462 = vector.broadcast %mul3A_33 : f32 to vector<16xf32>
      %parallel_loop3A_463 = arith.addf %parallel_loop3A_461, %parallel_loop3A_462 : vector<16xf32>
      %parallel_loop3A_464 = vector.broadcast %mul3A_216 : f32 to vector<16xf32>
      %parallel_loop3A_465 = arith.mulf %parallel_loop3A_464, %parallel_loop3A_308 : vector<16xf32>
      %parallel_loop3A_466 = vector.broadcast %mul3A_33 : f32 to vector<16xf32>
      %parallel_loop3A_467 = arith.addf %parallel_loop3A_465, %parallel_loop3A_466 : vector<16xf32>
      %parallel_loop3A_468 = vector.broadcast %mul3A_219 : f32 to vector<16xf32>
      %parallel_loop3A_469 = arith.mulf %parallel_loop3A_468, %parallel_loop3A_312 : vector<16xf32>
      %parallel_loop3A_470 = vector.broadcast %mul3A_33 : f32 to vector<16xf32>
      %parallel_loop3A_471 = arith.addf %parallel_loop3A_469, %parallel_loop3A_470 : vector<16xf32>
      %parallel_loop3A_472 = arith.constant 0.000000e+00 : f32
      %parallel_loop3A_473 = vector.broadcast %parallel_loop3A_472 : f32 to vector<16xf32>
      %parallel_loop3A_474 = arith.maximumf %parallel_loop3A_463, %parallel_loop3A_473 : vector<16xf32>
      %parallel_loop3A_475 = arith.constant 3.100000e+01 : f32
      %parallel_loop3A_476 = vector.broadcast %parallel_loop3A_475 : f32 to vector<16xf32>
      %parallel_loop3A_477 = arith.minimumf %parallel_loop3A_474, %parallel_loop3A_476 : vector<16xf32>
      %parallel_loop3A_478 = arith.constant 0.000000e+00 : f32
      %parallel_loop3A_479 = vector.broadcast %parallel_loop3A_478 : f32 to vector<16xf32>
      %parallel_loop3A_480 = arith.maximumf %parallel_loop3A_467, %parallel_loop3A_479 : vector<16xf32>
      %parallel_loop3A_481 = arith.constant 3.100000e+01 : f32
      %parallel_loop3A_482 = vector.broadcast %parallel_loop3A_481 : f32 to vector<16xf32>
      %parallel_loop3A_483 = arith.minimumf %parallel_loop3A_480, %parallel_loop3A_482 : vector<16xf32>
      %parallel_loop3A_484 = arith.constant 0.000000e+00 : f32
      %parallel_loop3A_485 = vector.broadcast %parallel_loop3A_484 : f32 to vector<16xf32>
      %parallel_loop3A_486 = arith.maximumf %parallel_loop3A_471, %parallel_loop3A_485 : vector<16xf32>
      %parallel_loop3A_487 = arith.constant 3.100000e+01 : f32
      %parallel_loop3A_488 = vector.broadcast %parallel_loop3A_487 : f32 to vector<16xf32>
      %parallel_loop3A_489 = arith.minimumf %parallel_loop3A_486, %parallel_loop3A_488 : vector<16xf32>
      %parallel_loop3A_490 = arith.fptosi %parallel_loop3A_477 : vector<16xf32> to vector<16xi32>
      %parallel_loop3A_491 = arith.constant 1024 : i32
      %parallel_loop3A_492 = vector.broadcast %parallel_loop3A_491 : i32 to vector<16xi32>
      %parallel_loop3A_493 = arith.muli %parallel_loop3A_490, %parallel_loop3A_492 : vector<16xi32>
      %parallel_loop3A_494 = arith.fptosi %parallel_loop3A_483 : vector<16xf32> to vector<16xi32>
      %parallel_loop3A_495 = arith.constant 32 : i32
      %parallel_loop3A_496 = vector.broadcast %parallel_loop3A_495 : i32 to vector<16xi32>
      %parallel_loop3A_497 = arith.muli %parallel_loop3A_494, %parallel_loop3A_496 : vector<16xi32>
      %parallel_loop3A_498 = arith.addi %parallel_loop3A_493, %parallel_loop3A_497 : vector<16xi32>
      %parallel_loop3A_499 = arith.fptosi %parallel_loop3A_489 : vector<16xf32> to vector<16xi32>
      %parallel_loop3A_500 = arith.addi %parallel_loop3A_498, %parallel_loop3A_499 : vector<16xi32>
      %parallel_loop3A_501 = tpu.vector_load_idx %arg13[%parallel_loop3A_500] : memref<32768xi32, #tpu.memory_space<vmem>>[vector<16xi32>], vector<16xi32>,
      %parallel_loop3A_502 = tpu.vector_load_idx %arg14[%parallel_loop3A_500] : memref<32768xf32, #tpu.memory_space<vmem>>[vector<16xi32>], vector<16xf32>,
      %parallel_loop3A_503 = arith.constant 16 : i32
      %parallel_loop3A_504 = vector.broadcast %parallel_loop3A_503 : i32 to vector<16xi32>
      %parallel_loop3A_505 = arith.shli %parallel_loop3A_501, %parallel_loop3A_504 : vector<16xi32>
      %parallel_loop3A_506 = tpu.bitcast %parallel_loop3A_505 : vector<16xi32> -> vector<16xf32>
      %parallel_loop3A_507 = arith.constant -65536 : i32
      %parallel_loop3A_508 = vector.broadcast %parallel_loop3A_507 : i32 to vector<16xi32>
      %parallel_loop3A_509 = arith.andi %parallel_loop3A_501, %parallel_loop3A_508 : vector<16xi32>
      %parallel_loop3A_510 = tpu.bitcast %parallel_loop3A_509 : vector<16xi32> -> vector<16xf32>
      %parallel_loop3A_511 = arith.subf %parallel_loop3A_463, %parallel_loop3A_506 : vector<16xf32>
      %parallel_loop3A_512 = arith.subf %parallel_loop3A_467, %parallel_loop3A_510 : vector<16xf32>
      %parallel_loop3A_513 = arith.subf %parallel_loop3A_471, %parallel_loop3A_502 : vector<16xf32>
      %parallel_loop3A_514 = arith.mulf %parallel_loop3A_511, %parallel_loop3A_511 : vector<16xf32>
      %parallel_loop3A_515 = arith.mulf %parallel_loop3A_512, %parallel_loop3A_512 : vector<16xf32>
      %parallel_loop3A_516 = arith.addf %parallel_loop3A_514, %parallel_loop3A_515 : vector<16xf32>
      %parallel_loop3A_517 = arith.mulf %parallel_loop3A_513, %parallel_loop3A_513 : vector<16xf32>
      %parallel_loop3A_518 = arith.addf %parallel_loop3A_516, %parallel_loop3A_517 : vector<16xf32>
      %parallel_loop3A_519 = tpu.bitcast %parallel_loop3A_518 : vector<16xf32> -> vector<16xi32>
      %parallel_loop3A_520 = arith.constant 1 : i32
      %parallel_loop3A_521 = vector.broadcast %parallel_loop3A_520 : i32 to vector<16xi32>
      %parallel_loop3A_522 = arith.shrsi %parallel_loop3A_519, %parallel_loop3A_521 : vector<16xi32>
      %parallel_loop3A_523 = arith.constant 1597463007 : i32
      %parallel_loop3A_524 = vector.broadcast %parallel_loop3A_523 : i32 to vector<16xi32>
      %parallel_loop3A_525 = arith.subi %parallel_loop3A_524, %parallel_loop3A_522 : vector<16xi32>
      %parallel_loop3A_526 = tpu.bitcast %parallel_loop3A_525 : vector<16xi32> -> vector<16xf32>
      %parallel_loop3A_527 = arith.constant 5.000000e-01 : f32
      %parallel_loop3A_528 = vector.broadcast %parallel_loop3A_527 : f32 to vector<16xf32>
      %parallel_loop3A_529 = arith.mulf %parallel_loop3A_528, %parallel_loop3A_518 : vector<16xf32>
      %parallel_loop3A_530 = arith.mulf %parallel_loop3A_529, %parallel_loop3A_526 : vector<16xf32>
      %parallel_loop3A_531 = arith.mulf %parallel_loop3A_530, %parallel_loop3A_526 : vector<16xf32>
      %parallel_loop3A_532 = arith.constant 1.500000e+00 : f32
      %parallel_loop3A_533 = vector.broadcast %parallel_loop3A_532 : f32 to vector<16xf32>
      %parallel_loop3A_534 = arith.subf %parallel_loop3A_533, %parallel_loop3A_531 : vector<16xf32>
      %parallel_loop3A_535 = arith.mulf %parallel_loop3A_526, %parallel_loop3A_534 : vector<16xf32>
      %parallel_loop3A_536 = arith.mulf %parallel_loop3A_518, %parallel_loop3A_535 : vector<16xf32>
      %parallel_loop3A_537 = arith.addf %parallel_loop3A_459, %parallel_loop3A_536 : vector<16xf32>
      %parallel_loop3A_538 = vector.broadcast %mul3A_232 : f32 to vector<16xf32>
      %parallel_loop3A_539 = arith.mulf %parallel_loop3A_538, %parallel_loop3A_304 : vector<16xf32>
      %parallel_loop3A_540 = vector.broadcast %mul3A_33 : f32 to vector<16xf32>
      %parallel_loop3A_541 = arith.addf %parallel_loop3A_539, %parallel_loop3A_540 : vector<16xf32>
      %parallel_loop3A_542 = vector.broadcast %mul3A_235 : f32 to vector<16xf32>
      %parallel_loop3A_543 = arith.mulf %parallel_loop3A_542, %parallel_loop3A_308 : vector<16xf32>
      %parallel_loop3A_544 = vector.broadcast %mul3A_33 : f32 to vector<16xf32>
      %parallel_loop3A_545 = arith.addf %parallel_loop3A_543, %parallel_loop3A_544 : vector<16xf32>
      %parallel_loop3A_546 = vector.broadcast %mul3A_238 : f32 to vector<16xf32>
      %parallel_loop3A_547 = arith.mulf %parallel_loop3A_546, %parallel_loop3A_312 : vector<16xf32>
      %parallel_loop3A_548 = vector.broadcast %mul3A_33 : f32 to vector<16xf32>
      %parallel_loop3A_549 = arith.addf %parallel_loop3A_547, %parallel_loop3A_548 : vector<16xf32>
      %parallel_loop3A_550 = arith.constant 0.000000e+00 : f32
      %parallel_loop3A_551 = vector.broadcast %parallel_loop3A_550 : f32 to vector<16xf32>
      %parallel_loop3A_552 = arith.maximumf %parallel_loop3A_541, %parallel_loop3A_551 : vector<16xf32>
      %parallel_loop3A_553 = arith.constant 3.100000e+01 : f32
      %parallel_loop3A_554 = vector.broadcast %parallel_loop3A_553 : f32 to vector<16xf32>
      %parallel_loop3A_555 = arith.minimumf %parallel_loop3A_552, %parallel_loop3A_554 : vector<16xf32>
      %parallel_loop3A_556 = arith.constant 0.000000e+00 : f32
      %parallel_loop3A_557 = vector.broadcast %parallel_loop3A_556 : f32 to vector<16xf32>
      %parallel_loop3A_558 = arith.maximumf %parallel_loop3A_545, %parallel_loop3A_557 : vector<16xf32>
      %parallel_loop3A_559 = arith.constant 3.100000e+01 : f32
      %parallel_loop3A_560 = vector.broadcast %parallel_loop3A_559 : f32 to vector<16xf32>
      %parallel_loop3A_561 = arith.minimumf %parallel_loop3A_558, %parallel_loop3A_560 : vector<16xf32>
      %parallel_loop3A_562 = arith.constant 0.000000e+00 : f32
      %parallel_loop3A_563 = vector.broadcast %parallel_loop3A_562 : f32 to vector<16xf32>
      %parallel_loop3A_564 = arith.maximumf %parallel_loop3A_549, %parallel_loop3A_563 : vector<16xf32>
      %parallel_loop3A_565 = arith.constant 3.100000e+01 : f32
      %parallel_loop3A_566 = vector.broadcast %parallel_loop3A_565 : f32 to vector<16xf32>
      %parallel_loop3A_567 = arith.minimumf %parallel_loop3A_564, %parallel_loop3A_566 : vector<16xf32>
      %parallel_loop3A_568 = arith.fptosi %parallel_loop3A_555 : vector<16xf32> to vector<16xi32>
      %parallel_loop3A_569 = arith.constant 1024 : i32
      %parallel_loop3A_570 = vector.broadcast %parallel_loop3A_569 : i32 to vector<16xi32>
      %parallel_loop3A_571 = arith.muli %parallel_loop3A_568, %parallel_loop3A_570 : vector<16xi32>
      %parallel_loop3A_572 = arith.fptosi %parallel_loop3A_561 : vector<16xf32> to vector<16xi32>
      %parallel_loop3A_573 = arith.constant 32 : i32
      %parallel_loop3A_574 = vector.broadcast %parallel_loop3A_573 : i32 to vector<16xi32>
      %parallel_loop3A_575 = arith.muli %parallel_loop3A_572, %parallel_loop3A_574 : vector<16xi32>
      %parallel_loop3A_576 = arith.addi %parallel_loop3A_571, %parallel_loop3A_575 : vector<16xi32>
      %parallel_loop3A_577 = arith.fptosi %parallel_loop3A_567 : vector<16xf32> to vector<16xi32>
      %parallel_loop3A_578 = arith.addi %parallel_loop3A_576, %parallel_loop3A_577 : vector<16xi32>
      %parallel_loop3A_579 = tpu.vector_load_idx %arg13[%parallel_loop3A_578] : memref<32768xi32, #tpu.memory_space<vmem>>[vector<16xi32>], vector<16xi32>,
      %parallel_loop3A_580 = tpu.vector_load_idx %arg14[%parallel_loop3A_578] : memref<32768xf32, #tpu.memory_space<vmem>>[vector<16xi32>], vector<16xf32>,
      %parallel_loop3A_581 = arith.constant 16 : i32
      %parallel_loop3A_582 = vector.broadcast %parallel_loop3A_581 : i32 to vector<16xi32>
      %parallel_loop3A_583 = arith.shli %parallel_loop3A_579, %parallel_loop3A_582 : vector<16xi32>
      %parallel_loop3A_584 = tpu.bitcast %parallel_loop3A_583 : vector<16xi32> -> vector<16xf32>
      %parallel_loop3A_585 = arith.constant -65536 : i32
      %parallel_loop3A_586 = vector.broadcast %parallel_loop3A_585 : i32 to vector<16xi32>
      %parallel_loop3A_587 = arith.andi %parallel_loop3A_579, %parallel_loop3A_586 : vector<16xi32>
      %parallel_loop3A_588 = tpu.bitcast %parallel_loop3A_587 : vector<16xi32> -> vector<16xf32>
      %parallel_loop3A_589 = arith.subf %parallel_loop3A_541, %parallel_loop3A_584 : vector<16xf32>
      %parallel_loop3A_590 = arith.subf %parallel_loop3A_545, %parallel_loop3A_588 : vector<16xf32>
      %parallel_loop3A_591 = arith.subf %parallel_loop3A_549, %parallel_loop3A_580 : vector<16xf32>
      %parallel_loop3A_592 = arith.mulf %parallel_loop3A_589, %parallel_loop3A_589 : vector<16xf32>
      %parallel_loop3A_593 = arith.mulf %parallel_loop3A_590, %parallel_loop3A_590 : vector<16xf32>
      %parallel_loop3A_594 = arith.addf %parallel_loop3A_592, %parallel_loop3A_593 : vector<16xf32>
      %parallel_loop3A_595 = arith.mulf %parallel_loop3A_591, %parallel_loop3A_591 : vector<16xf32>
      %parallel_loop3A_596 = arith.addf %parallel_loop3A_594, %parallel_loop3A_595 : vector<16xf32>
      %parallel_loop3A_597 = tpu.bitcast %parallel_loop3A_596 : vector<16xf32> -> vector<16xi32>
      %parallel_loop3A_598 = arith.constant 1 : i32
      %parallel_loop3A_599 = vector.broadcast %parallel_loop3A_598 : i32 to vector<16xi32>
      %parallel_loop3A_600 = arith.shrsi %parallel_loop3A_597, %parallel_loop3A_599 : vector<16xi32>
      %parallel_loop3A_601 = arith.constant 1597463007 : i32
      %parallel_loop3A_602 = vector.broadcast %parallel_loop3A_601 : i32 to vector<16xi32>
      %parallel_loop3A_603 = arith.subi %parallel_loop3A_602, %parallel_loop3A_600 : vector<16xi32>
      %parallel_loop3A_604 = tpu.bitcast %parallel_loop3A_603 : vector<16xi32> -> vector<16xf32>
      %parallel_loop3A_605 = arith.constant 5.000000e-01 : f32
      %parallel_loop3A_606 = vector.broadcast %parallel_loop3A_605 : f32 to vector<16xf32>
      %parallel_loop3A_607 = arith.mulf %parallel_loop3A_606, %parallel_loop3A_596 : vector<16xf32>
      %parallel_loop3A_608 = arith.mulf %parallel_loop3A_607, %parallel_loop3A_604 : vector<16xf32>
      %parallel_loop3A_609 = arith.mulf %parallel_loop3A_608, %parallel_loop3A_604 : vector<16xf32>
      %parallel_loop3A_610 = arith.constant 1.500000e+00 : f32
      %parallel_loop3A_611 = vector.broadcast %parallel_loop3A_610 : f32 to vector<16xf32>
      %parallel_loop3A_612 = arith.subf %parallel_loop3A_611, %parallel_loop3A_609 : vector<16xf32>
      %parallel_loop3A_613 = arith.mulf %parallel_loop3A_604, %parallel_loop3A_612 : vector<16xf32>
      %parallel_loop3A_614 = arith.mulf %parallel_loop3A_596, %parallel_loop3A_613 : vector<16xf32>
      %parallel_loop3A_615 = arith.addf %parallel_loop3A_537, %parallel_loop3A_614 : vector<16xf32>
      %parallel_loop3A_616 = vector.broadcast %mul3A_251 : f32 to vector<16xf32>
      %parallel_loop3A_617 = arith.mulf %parallel_loop3A_616, %parallel_loop3A_304 : vector<16xf32>
      %parallel_loop3A_618 = vector.broadcast %mul3A_33 : f32 to vector<16xf32>
      %parallel_loop3A_619 = arith.addf %parallel_loop3A_617, %parallel_loop3A_618 : vector<16xf32>
      %parallel_loop3A_620 = vector.broadcast %mul3A_254 : f32 to vector<16xf32>
      %parallel_loop3A_621 = arith.mulf %parallel_loop3A_620, %parallel_loop3A_308 : vector<16xf32>
      %parallel_loop3A_622 = vector.broadcast %mul3A_33 : f32 to vector<16xf32>
      %parallel_loop3A_623 = arith.addf %parallel_loop3A_621, %parallel_loop3A_622 : vector<16xf32>
      %parallel_loop3A_624 = vector.broadcast %mul3A_257 : f32 to vector<16xf32>
      %parallel_loop3A_625 = arith.mulf %parallel_loop3A_624, %parallel_loop3A_312 : vector<16xf32>
      %parallel_loop3A_626 = vector.broadcast %mul3A_33 : f32 to vector<16xf32>
      %parallel_loop3A_627 = arith.addf %parallel_loop3A_625, %parallel_loop3A_626 : vector<16xf32>
      %parallel_loop3A_628 = arith.constant 0.000000e+00 : f32
      %parallel_loop3A_629 = vector.broadcast %parallel_loop3A_628 : f32 to vector<16xf32>
      %parallel_loop3A_630 = arith.maximumf %parallel_loop3A_619, %parallel_loop3A_629 : vector<16xf32>
      %parallel_loop3A_631 = arith.constant 3.100000e+01 : f32
      %parallel_loop3A_632 = vector.broadcast %parallel_loop3A_631 : f32 to vector<16xf32>
      %parallel_loop3A_633 = arith.minimumf %parallel_loop3A_630, %parallel_loop3A_632 : vector<16xf32>
      %parallel_loop3A_634 = arith.constant 0.000000e+00 : f32
      %parallel_loop3A_635 = vector.broadcast %parallel_loop3A_634 : f32 to vector<16xf32>
      %parallel_loop3A_636 = arith.maximumf %parallel_loop3A_623, %parallel_loop3A_635 : vector<16xf32>
      %parallel_loop3A_637 = arith.constant 3.100000e+01 : f32
      %parallel_loop3A_638 = vector.broadcast %parallel_loop3A_637 : f32 to vector<16xf32>
      %parallel_loop3A_639 = arith.minimumf %parallel_loop3A_636, %parallel_loop3A_638 : vector<16xf32>
      %parallel_loop3A_640 = arith.constant 0.000000e+00 : f32
      %parallel_loop3A_641 = vector.broadcast %parallel_loop3A_640 : f32 to vector<16xf32>
      %parallel_loop3A_642 = arith.maximumf %parallel_loop3A_627, %parallel_loop3A_641 : vector<16xf32>
      %parallel_loop3A_643 = arith.constant 3.100000e+01 : f32
      %parallel_loop3A_644 = vector.broadcast %parallel_loop3A_643 : f32 to vector<16xf32>
      %parallel_loop3A_645 = arith.minimumf %parallel_loop3A_642, %parallel_loop3A_644 : vector<16xf32>
      %parallel_loop3A_646 = arith.fptosi %parallel_loop3A_633 : vector<16xf32> to vector<16xi32>
      %parallel_loop3A_647 = arith.constant 1024 : i32
      %parallel_loop3A_648 = vector.broadcast %parallel_loop3A_647 : i32 to vector<16xi32>
      %parallel_loop3A_649 = arith.muli %parallel_loop3A_646, %parallel_loop3A_648 : vector<16xi32>
      %parallel_loop3A_650 = arith.fptosi %parallel_loop3A_639 : vector<16xf32> to vector<16xi32>
      %parallel_loop3A_651 = arith.constant 32 : i32
      %parallel_loop3A_652 = vector.broadcast %parallel_loop3A_651 : i32 to vector<16xi32>
      %parallel_loop3A_653 = arith.muli %parallel_loop3A_650, %parallel_loop3A_652 : vector<16xi32>
      %parallel_loop3A_654 = arith.addi %parallel_loop3A_649, %parallel_loop3A_653 : vector<16xi32>
      %parallel_loop3A_655 = arith.fptosi %parallel_loop3A_645 : vector<16xf32> to vector<16xi32>
      %parallel_loop3A_656 = arith.addi %parallel_loop3A_654, %parallel_loop3A_655 : vector<16xi32>
      %parallel_loop3A_657 = tpu.vector_load_idx %arg13[%parallel_loop3A_656] : memref<32768xi32, #tpu.memory_space<vmem>>[vector<16xi32>], vector<16xi32>,
      %parallel_loop3A_658 = tpu.vector_load_idx %arg14[%parallel_loop3A_656] : memref<32768xf32, #tpu.memory_space<vmem>>[vector<16xi32>], vector<16xf32>,
      %parallel_loop3A_659 = arith.constant 16 : i32
      %parallel_loop3A_660 = vector.broadcast %parallel_loop3A_659 : i32 to vector<16xi32>
      %parallel_loop3A_661 = arith.shli %parallel_loop3A_657, %parallel_loop3A_660 : vector<16xi32>
      %parallel_loop3A_662 = tpu.bitcast %parallel_loop3A_661 : vector<16xi32> -> vector<16xf32>
      %parallel_loop3A_663 = arith.constant -65536 : i32
      %parallel_loop3A_664 = vector.broadcast %parallel_loop3A_663 : i32 to vector<16xi32>
      %parallel_loop3A_665 = arith.andi %parallel_loop3A_657, %parallel_loop3A_664 : vector<16xi32>
      %parallel_loop3A_666 = tpu.bitcast %parallel_loop3A_665 : vector<16xi32> -> vector<16xf32>
      %parallel_loop3A_667 = arith.subf %parallel_loop3A_619, %parallel_loop3A_662 : vector<16xf32>
      %parallel_loop3A_668 = arith.subf %parallel_loop3A_623, %parallel_loop3A_666 : vector<16xf32>
      %parallel_loop3A_669 = arith.subf %parallel_loop3A_627, %parallel_loop3A_658 : vector<16xf32>
      %parallel_loop3A_670 = arith.mulf %parallel_loop3A_667, %parallel_loop3A_667 : vector<16xf32>
      %parallel_loop3A_671 = arith.mulf %parallel_loop3A_668, %parallel_loop3A_668 : vector<16xf32>
      %parallel_loop3A_672 = arith.addf %parallel_loop3A_670, %parallel_loop3A_671 : vector<16xf32>
      %parallel_loop3A_673 = arith.mulf %parallel_loop3A_669, %parallel_loop3A_669 : vector<16xf32>
      %parallel_loop3A_674 = arith.addf %parallel_loop3A_672, %parallel_loop3A_673 : vector<16xf32>
      %parallel_loop3A_675 = tpu.bitcast %parallel_loop3A_674 : vector<16xf32> -> vector<16xi32>
      %parallel_loop3A_676 = arith.constant 1 : i32
      %parallel_loop3A_677 = vector.broadcast %parallel_loop3A_676 : i32 to vector<16xi32>
      %parallel_loop3A_678 = arith.shrsi %parallel_loop3A_675, %parallel_loop3A_677 : vector<16xi32>
      %parallel_loop3A_679 = arith.constant 1597463007 : i32
      %parallel_loop3A_680 = vector.broadcast %parallel_loop3A_679 : i32 to vector<16xi32>
      %parallel_loop3A_681 = arith.subi %parallel_loop3A_680, %parallel_loop3A_678 : vector<16xi32>
      %parallel_loop3A_682 = tpu.bitcast %parallel_loop3A_681 : vector<16xi32> -> vector<16xf32>
      %parallel_loop3A_683 = arith.constant 5.000000e-01 : f32
      %parallel_loop3A_684 = vector.broadcast %parallel_loop3A_683 : f32 to vector<16xf32>
      %parallel_loop3A_685 = arith.mulf %parallel_loop3A_684, %parallel_loop3A_674 : vector<16xf32>
      %parallel_loop3A_686 = arith.mulf %parallel_loop3A_685, %parallel_loop3A_682 : vector<16xf32>
      %parallel_loop3A_687 = arith.mulf %parallel_loop3A_686, %parallel_loop3A_682 : vector<16xf32>
      %parallel_loop3A_688 = arith.constant 1.500000e+00 : f32
      %parallel_loop3A_689 = vector.broadcast %parallel_loop3A_688 : f32 to vector<16xf32>
      %parallel_loop3A_690 = arith.subf %parallel_loop3A_689, %parallel_loop3A_687 : vector<16xf32>
      %parallel_loop3A_691 = arith.mulf %parallel_loop3A_682, %parallel_loop3A_690 : vector<16xf32>
      %parallel_loop3A_692 = arith.mulf %parallel_loop3A_674, %parallel_loop3A_691 : vector<16xf32>
      %parallel_loop3A_693 = arith.addf %parallel_loop3A_615, %parallel_loop3A_692 : vector<16xf32>
      %parallel_loop3A_694 = vector.broadcast %mul3A_270 : f32 to vector<16xf32>
      %parallel_loop3A_695 = arith.mulf %parallel_loop3A_694, %parallel_loop3A_304 : vector<16xf32>
      %parallel_loop3A_696 = vector.broadcast %mul3A_33 : f32 to vector<16xf32>
      %parallel_loop3A_697 = arith.addf %parallel_loop3A_695, %parallel_loop3A_696 : vector<16xf32>
      %parallel_loop3A_698 = vector.broadcast %mul3A_273 : f32 to vector<16xf32>
      %parallel_loop3A_699 = arith.mulf %parallel_loop3A_698, %parallel_loop3A_308 : vector<16xf32>
      %parallel_loop3A_700 = vector.broadcast %mul3A_33 : f32 to vector<16xf32>
      %parallel_loop3A_701 = arith.addf %parallel_loop3A_699, %parallel_loop3A_700 : vector<16xf32>
      %parallel_loop3A_702 = vector.broadcast %mul3A_276 : f32 to vector<16xf32>
      %parallel_loop3A_703 = arith.mulf %parallel_loop3A_702, %parallel_loop3A_312 : vector<16xf32>
      %parallel_loop3A_704 = vector.broadcast %mul3A_33 : f32 to vector<16xf32>
      %parallel_loop3A_705 = arith.addf %parallel_loop3A_703, %parallel_loop3A_704 : vector<16xf32>
      %parallel_loop3A_706 = arith.constant 0.000000e+00 : f32
      %parallel_loop3A_707 = vector.broadcast %parallel_loop3A_706 : f32 to vector<16xf32>
      %parallel_loop3A_708 = arith.maximumf %parallel_loop3A_697, %parallel_loop3A_707 : vector<16xf32>
      %parallel_loop3A_709 = arith.constant 3.100000e+01 : f32
      %parallel_loop3A_710 = vector.broadcast %parallel_loop3A_709 : f32 to vector<16xf32>
      %parallel_loop3A_711 = arith.minimumf %parallel_loop3A_708, %parallel_loop3A_710 : vector<16xf32>
      %parallel_loop3A_712 = arith.constant 0.000000e+00 : f32
      %parallel_loop3A_713 = vector.broadcast %parallel_loop3A_712 : f32 to vector<16xf32>
      %parallel_loop3A_714 = arith.maximumf %parallel_loop3A_701, %parallel_loop3A_713 : vector<16xf32>
      %parallel_loop3A_715 = arith.constant 3.100000e+01 : f32
      %parallel_loop3A_716 = vector.broadcast %parallel_loop3A_715 : f32 to vector<16xf32>
      %parallel_loop3A_717 = arith.minimumf %parallel_loop3A_714, %parallel_loop3A_716 : vector<16xf32>
      %parallel_loop3A_718 = arith.constant 0.000000e+00 : f32
      %parallel_loop3A_719 = vector.broadcast %parallel_loop3A_718 : f32 to vector<16xf32>
      %parallel_loop3A_720 = arith.maximumf %parallel_loop3A_705, %parallel_loop3A_719 : vector<16xf32>
      %parallel_loop3A_721 = arith.constant 3.100000e+01 : f32
      %parallel_loop3A_722 = vector.broadcast %parallel_loop3A_721 : f32 to vector<16xf32>
      %parallel_loop3A_723 = arith.minimumf %parallel_loop3A_720, %parallel_loop3A_722 : vector<16xf32>
      %parallel_loop3A_724 = arith.fptosi %parallel_loop3A_711 : vector<16xf32> to vector<16xi32>
      %parallel_loop3A_725 = arith.constant 1024 : i32
      %parallel_loop3A_726 = vector.broadcast %parallel_loop3A_725 : i32 to vector<16xi32>
      %parallel_loop3A_727 = arith.muli %parallel_loop3A_724, %parallel_loop3A_726 : vector<16xi32>
      %parallel_loop3A_728 = arith.fptosi %parallel_loop3A_717 : vector<16xf32> to vector<16xi32>
      %parallel_loop3A_729 = arith.constant 32 : i32
      %parallel_loop3A_730 = vector.broadcast %parallel_loop3A_729 : i32 to vector<16xi32>
      %parallel_loop3A_731 = arith.muli %parallel_loop3A_728, %parallel_loop3A_730 : vector<16xi32>
      %parallel_loop3A_732 = arith.addi %parallel_loop3A_727, %parallel_loop3A_731 : vector<16xi32>
      %parallel_loop3A_733 = arith.fptosi %parallel_loop3A_723 : vector<16xf32> to vector<16xi32>
      %parallel_loop3A_734 = arith.addi %parallel_loop3A_732, %parallel_loop3A_733 : vector<16xi32>
      %parallel_loop3A_735 = tpu.vector_load_idx %arg13[%parallel_loop3A_734] : memref<32768xi32, #tpu.memory_space<vmem>>[vector<16xi32>], vector<16xi32>,
      %parallel_loop3A_736 = tpu.vector_load_idx %arg14[%parallel_loop3A_734] : memref<32768xf32, #tpu.memory_space<vmem>>[vector<16xi32>], vector<16xf32>,
      %parallel_loop3A_737 = arith.constant 16 : i32
      %parallel_loop3A_738 = vector.broadcast %parallel_loop3A_737 : i32 to vector<16xi32>
      %parallel_loop3A_739 = arith.shli %parallel_loop3A_735, %parallel_loop3A_738 : vector<16xi32>
      %parallel_loop3A_740 = tpu.bitcast %parallel_loop3A_739 : vector<16xi32> -> vector<16xf32>
      %parallel_loop3A_741 = arith.constant -65536 : i32
      %parallel_loop3A_742 = vector.broadcast %parallel_loop3A_741 : i32 to vector<16xi32>
      %parallel_loop3A_743 = arith.andi %parallel_loop3A_735, %parallel_loop3A_742 : vector<16xi32>
      %parallel_loop3A_744 = tpu.bitcast %parallel_loop3A_743 : vector<16xi32> -> vector<16xf32>
      %parallel_loop3A_745 = arith.subf %parallel_loop3A_697, %parallel_loop3A_740 : vector<16xf32>
      %parallel_loop3A_746 = arith.subf %parallel_loop3A_701, %parallel_loop3A_744 : vector<16xf32>
      %parallel_loop3A_747 = arith.subf %parallel_loop3A_705, %parallel_loop3A_736 : vector<16xf32>
      %parallel_loop3A_748 = arith.mulf %parallel_loop3A_745, %parallel_loop3A_745 : vector<16xf32>
      %parallel_loop3A_749 = arith.mulf %parallel_loop3A_746, %parallel_loop3A_746 : vector<16xf32>
      %parallel_loop3A_750 = arith.addf %parallel_loop3A_748, %parallel_loop3A_749 : vector<16xf32>
      %parallel_loop3A_751 = arith.mulf %parallel_loop3A_747, %parallel_loop3A_747 : vector<16xf32>
      %parallel_loop3A_752 = arith.addf %parallel_loop3A_750, %parallel_loop3A_751 : vector<16xf32>
      %parallel_loop3A_753 = tpu.bitcast %parallel_loop3A_752 : vector<16xf32> -> vector<16xi32>
      %parallel_loop3A_754 = arith.constant 1 : i32
      %parallel_loop3A_755 = vector.broadcast %parallel_loop3A_754 : i32 to vector<16xi32>
      %parallel_loop3A_756 = arith.shrsi %parallel_loop3A_753, %parallel_loop3A_755 : vector<16xi32>
      %parallel_loop3A_757 = arith.constant 1597463007 : i32
      %parallel_loop3A_758 = vector.broadcast %parallel_loop3A_757 : i32 to vector<16xi32>
      %parallel_loop3A_759 = arith.subi %parallel_loop3A_758, %parallel_loop3A_756 : vector<16xi32>
      %parallel_loop3A_760 = tpu.bitcast %parallel_loop3A_759 : vector<16xi32> -> vector<16xf32>
      %parallel_loop3A_761 = arith.constant 5.000000e-01 : f32
      %parallel_loop3A_762 = vector.broadcast %parallel_loop3A_761 : f32 to vector<16xf32>
      %parallel_loop3A_763 = arith.mulf %parallel_loop3A_762, %parallel_loop3A_752 : vector<16xf32>
      %parallel_loop3A_764 = arith.mulf %parallel_loop3A_763, %parallel_loop3A_760 : vector<16xf32>
      %parallel_loop3A_765 = arith.mulf %parallel_loop3A_764, %parallel_loop3A_760 : vector<16xf32>
      %parallel_loop3A_766 = arith.constant 1.500000e+00 : f32
      %parallel_loop3A_767 = vector.broadcast %parallel_loop3A_766 : f32 to vector<16xf32>
      %parallel_loop3A_768 = arith.subf %parallel_loop3A_767, %parallel_loop3A_765 : vector<16xf32>
      %parallel_loop3A_769 = arith.mulf %parallel_loop3A_760, %parallel_loop3A_768 : vector<16xf32>
      %parallel_loop3A_770 = arith.mulf %parallel_loop3A_752, %parallel_loop3A_769 : vector<16xf32>
      %parallel_loop3A_771 = arith.addf %parallel_loop3A_693, %parallel_loop3A_770 : vector<16xf32>
      scf.yield %parallel_loop3A_771 : vector<16xf32>
    } {sc.loop_unroll_factor = 1 : i64, sc.parallel_access}
    %mul3A_295 = arith.constant 3.125000e-02 : f32
    %mul3A_296 = vector.broadcast %mul3A_295 : f32 to vector<16xf32>
    %mul3A_297 = arith.mulf %parallel_loop3A_294, %mul3A_296 : vector<16xf32>
    %swap3A = arith.constant 0 : index
    %swap3A_298 = tpu.vector_load %arg15[%swap3A] {strides = array<i32>} : memref<16xf32, #tpu.memory_space<vmem>>, vector<16xf32>,
    tpu.vector_store %arg15[%swap3A], %mul3A_297 {strides = array<i32>} : memref<16xf32, #tpu.memory_space<vmem>>, vector<16xf32>,
    "tpu.region"() ({
      %run_scoped3A = tpu.sem_alloc : memref<!tpu.dma_semaphore, #tpu.memory_space<semaphore_mem>>
      %dma_start3A = arith.constant 0 : i32
      %dma_start3A_299 = tpu.memref_slice %arg8[%add3A, %dma_start3A] : memref<32x16xf32, #tpu.memory_space<hbm>> -> memref<1x16xf32, #tpu.memory_space<hbm>>
      %dma_start3A_300 = tpu.memref_squeeze %dma_start3A_299 : memref<1x16xf32, #tpu.memory_space<hbm>> -> memref<16xf32, #tpu.memory_space<hbm>>
      %dma_start3A_301 = arith.constant 0 : i32
      %dma_start3A_302 = tpu.memref_slice %arg8[%add3A, %dma_start3A_301] : memref<32x16xf32, #tpu.memory_space<hbm>> -> memref<1x16xf32, #tpu.memory_space<hbm>>
      %dma_start3A_303 = tpu.memref_squeeze %dma_start3A_302 : memref<1x16xf32, #tpu.memory_space<hbm>> -> memref<16xf32, #tpu.memory_space<hbm>>
      tpu.enqueue_dma source(%arg15 : memref<16xf32, #tpu.memory_space<vmem>>) target(%dma_start3A_303 : memref<16xf32, #tpu.memory_space<hbm>>) target_semaphore(%run_scoped3A : memref<!tpu.dma_semaphore, #tpu.memory_space<semaphore_mem>>)
      %dma_wait3A = arith.constant 0 : i32
      %dma_wait3A_304 = tpu.memref_slice %arg8[%add3A, %dma_wait3A] : memref<32x16xf32, #tpu.memory_space<hbm>> -> memref<1x16xf32, #tpu.memory_space<hbm>>
      %dma_wait3A_305 = tpu.memref_squeeze %dma_wait3A_304 : memref<1x16xf32, #tpu.memory_space<hbm>> -> memref<16xf32, #tpu.memory_space<hbm>>
      %dma_wait3A_306 = arith.constant 0 : i32
      %dma_wait3A_307 = tpu.memref_slice %arg8[%add3A, %dma_wait3A_306] : memref<32x16xf32, #tpu.memory_space<hbm>> -> memref<1x16xf32, #tpu.memory_space<hbm>>
      %dma_wait3A_308 = tpu.memref_squeeze %dma_wait3A_307 : memref<1x16xf32, #tpu.memory_space<hbm>> -> memref<16xf32, #tpu.memory_space<hbm>>
      tpu.wait_dma2 semaphore(%run_scoped3A : memref<!tpu.dma_semaphore, #tpu.memory_space<semaphore_mem>>) src(%arg15 : memref<16xf32, #tpu.memory_space<vmem>>) dst(%dma_wait3A_308 : memref<16xf32, #tpu.memory_space<hbm>>)
      tpu.yield
    }) : () -> ()
    return
  }
}

</mosaic_0001>

<sc_bundles>
// kernel: kernel.3.cloned.1.call-start
scs
__scs_entry_jumppad:
0x0: {  	(pc) =	sbr.rel $0x88, $3  }
0x1: {  	(tag) =	ssettag $0x0;
	lr =	simm.s32 $0x1  }
0x2: {  	[smem:$0x3F9C] =	sst lr;
	_ =	strace $0xD0000000  }
0x3: {  	_ = 	snop  }
0x4: {  	_ = 	snop  }
0x5: {  	_ = 	snop  }
0x6: {  	_ = 	snop  }
0x7: {  	_ = 	snop  }
__scs_overlays_trampoline_lowered:
0x8: {  	[smem:$0x3FAB] =	sst s0  }
0x9: {  	[smem:$0x3FAC] =	sst s1  }
0xa: {  	[smem:$0x3FAD] =	sst s2  }
0xb: {  	[smem:$0x3FAE] =	sst s3  }
0xc: {  	[smem:$0x3FAF] =	sst s4  }
0xd: {  	[smem:$0x3FB0] =	sst s5  }
0xe: {  	[smem:$0x3FB1] =	sst s6  }
0xf: {  	[smem:$0x3FB2] =	sst s7  }
0x10: {  	[smem:$0x3FB3] =	sst s8  }
0x11: {  	[smem:$0x3FB4] =	sst s9;
	s0 =	simm.s32 @!p0 $0x0  }
0x12: {  	s1 =	sld [smem:$0x3F9A];
	s0 =	simm.s32 @p0 $0x1  }
0x13: {  	[smem:$0x3FB5] =	sst s0;
	s0 =	simm.s32 @!p1 $0x0  }
0x14: {  	s2 =	sld [smem:$0x3F99];
	s0 =	simm.s32 @p1 $0x1  }
0x15: {  	[smem:$0x3FB6] =	sst s0;
	s0 =	simm.s32 @!p2 $0x0  }
0x16: {  	s3 =	sld [smem:$0x3FDB];
	s0 =	simm.s32 @p2 $0x1  }
0x17: {  	s4 =	simm.s32 $0x1BF5;
	[smem:$0x3FB8] =	sst s0  }
0x18: {  	s0 =	sld [smem:$0x3F9B];
	_ =	swait.ge [sflag:s4], $0x0  }
0x19: {  	s7 =	sld [smem:$0x3F9C]  }
0x1a: {  	s8 =	sadd.s32 $0xFFFFE003, lr  }
0x1b: {  	s9 =	sadd.s32 $0xFFFFFEF7, lr;
	s5 =	simm.s32 $0xFFFFFFFF;
	p2 =	slt.u32 s8, $0xFFFFF086  }
0x1c: {  	p1 =	slt.u32 s9, $0xF7A;
	s5 =	simm.s32 @!p2 $0x0  }
0x1d: {  	s5 =	simm.s32 @p1 $0x1;
	p0 =	seq.s32 s7, s2  }
0x1e: {  	s7 =	smul.u32 @!p0 $0xF7A, s2;
	p2 =	seq.s32 @!p0 s5, $0x0  }
0x1f: {  	s9 =	smul.u32 $0xF7A, s1;
	s8 =	simm.s32 @!p0 $0x1BF5;
	p2 =	por !p2, p0  }
0x20: {  	[sflag:s8] =	ssyncset.s32 @!p0 $0xFFFFF086;
	s6 =	sadd.s32 @!p0 s3, s7;
	s7 =	simm.s32 @!p0 $0x108  }
0x21: {  	s3 =	sadd.s32 s3, s9;
	s6 =	sadd.s32 @!p0 $0x88, s6;
	s7 =	simm.s32 @p2 $0x1082  }
0x22: {  	[simem:s7], [sflag:s8] =	dma.local @!p0 [hbm:s6], $0xF7A  }
0x23: {  	s9 =	sor.u32 $0xD0000000, s2;
	s6 =	simm.s32 $0x108;
	_ =	swait.ge @!p0 [sflag:s8], $0x0  }
0x24: {  	s3 =	sadd.s32 $0x88, s3;
	s6 =	simm.s32 @!p1 $0x1082;
	[sflag:s4] =	ssyncset.s32 $0xFFFFF086  }
0x25: {  	[simem:s6], [sflag:s4] =	dma.local [hbm:s3], $0xF7A  }
0x26: {  	[smem:$0x3F9C] =	sst s1;
	(tag) =	ssettag s2;
	_ =	strace s9  }
0x27: {  	s1 =	sld [smem:$0x3FAC]  }
0x28: {  	s2 =	sld [smem:$0x3FAD]  }
0x29: {  	s4 =	sld [smem:$0x3FAF]  }
0x2a: {  	p0 =	seq.s32 s5, $0x0;
	s5 =	sld [smem:$0x3FB0]  }
0x2b: {  	s6 =	sld [smem:$0x3FB1]  }
0x2c: {  	s7 =	sld [smem:$0x3FB2]  }
0x2d: {  	s3 =	simm.s32 $0x108;
	s8 =	sld [smem:$0x3FB3]  }
0x2e: {  	s3 =	simm.s32 @!p0 $0x1082;
	s9 =	sld [smem:$0x3FB4]  }
0x2f: {  	lr =	sadd.s32 s0, s3;
	s0 =	sld [smem:$0x3FAB]  }
0x30: {  	s3 =	sld [smem:$0x3FAE]  }
0x31: {  	[smem:$0x3FB7] =	sst s10  }
0x32: {  	s10 =	sld [smem:$0x3FB5];
	_ =	sdelay $0x3  }
0x33: {  	p0 =	seq.s32 s10, $0x1;
	s10 =	sld [smem:$0x3FB7];
	_ =	sdelay $0x3  }
0x34: {  	[smem:$0x3FB7] =	sst s10  }
0x35: {  	s10 =	sld [smem:$0x3FB6];
	_ =	sdelay $0x3  }
0x36: {  	p1 =	seq.s32 s10, $0x1;
	s10 =	sld [smem:$0x3FB7];
	_ =	sdelay $0x3  }
0x37: {  	[smem:$0x3FB7] =	sst s10  }
0x38: {  	s10 =	sld [smem:$0x3FB8]  }
0x39: {  	_ = 	snop;
	(pc) =	sbr.ind lr, $3  }
0x3a: {  	_ = 	snop  }
0x3b: {  	_ = 	snop  }
0x3c: {  	p2 =	seq.s32 s10, $0x1;
	s10 =	sld [smem:$0x3FB7]  }
0x3d: {  	_ =	shalt  }
0x3e: {  	_ =	shalt  }
0x3f: {  	_ =	shalt  }
0x40: {  	_ =	shalt  }
0x41: {  	_ =	shalt  }
0x42: {  	_ =	shalt  }
0x43: {  	_ =	shalt  }
0x44: {  	_ =	shalt  }
0x45: {  	_ =	shalt  }
0x46: {  	_ =	shalt  }
0x47: {  	_ =	shalt  }
0x48: {  	_ =	shalt  }
0x49: {  	_ =	shalt  }
0x4a: {  	_ =	shalt  }
0x4b: {  	_ =	shalt  }
0x4c: {  	_ =	shalt  }
0x4d: {  	_ =	shalt  }
0x4e: {  	_ =	shalt  }
0x4f: {  	_ =	shalt  }
0x50: {  	_ =	shalt  }
0x51: {  	_ =	shalt  }
0x52: {  	_ =	shalt  }
0x53: {  	_ =	shalt  }
0x54: {  	_ =	shalt  }
0x55: {  	_ =	shalt  }
0x56: {  	_ =	shalt  }
0x57: {  	_ =	shalt  }
0x58: {  	_ =	shalt  }
0x59: {  	_ =	shalt  }
0x5a: {  	_ =	shalt  }
0x5b: {  	_ =	shalt  }
0x5c: {  	_ =	shalt  }
0x5d: {  	_ =	shalt  }
0x5e: {  	_ =	shalt  }
0x5f: {  	_ =	shalt  }
0x60: {  	_ =	shalt  }
0x61: {  	_ =	shalt  }
0x62: {  	_ =	shalt  }
0x63: {  	_ =	shalt  }
0x64: {  	_ =	shalt  }
0x65: {  	_ =	shalt  }
0x66: {  	_ =	shalt  }
0x67: {  	_ =	shalt  }
0x68: {  	_ =	shalt  }
0x69: {  	_ =	shalt  }
0x6a: {  	_ =	shalt  }
0x6b: {  	_ =	shalt  }
0x6c: {  	_ =	shalt  }
0x6d: {  	_ =	shalt  }
0x6e: {  	_ =	shalt  }
0x6f: {  	_ =	shalt  }
0x70: {  	_ =	shalt  }
0x71: {  	_ =	shalt  }
0x72: {  	_ =	shalt  }
0x73: {  	_ =	shalt  }
0x74: {  	_ =	shalt  }
0x75: {  	_ =	shalt  }
0x76: {  	_ =	shalt  }
0x77: {  	_ =	shalt  }
0x78: {  	_ =	shalt  }
0x79: {  	_ =	shalt  }
0x7a: {  	_ =	shalt  }
0x7b: {  	_ =	shalt  }
0x7c: {  	_ =	shalt  }
0x7d: {  	_ =	shalt  }
0x7e: {  	_ =	shalt  }
0x7f: {  	_ =	shalt  }
0x80: {  	_ =	shalt  }
0x81: {  	_ =	shalt  }
0x82: {  	_ =	shalt  }
0x83: {  	_ =	shalt  }
0x84: {  	_ =	shalt  }
0x85: {  	_ =	shalt  }
0x86: {  	_ =	shalt  }
0x87: {  	_ =	shalt  }
.Lfunc_end0:
.L_simem_size_0:
called_computation_lowered:
.L_overlay_start_0:
0x88: {  	s2 =	sld [smem:$0x3FD9]  }
0x89: {  	s3 =	sld [smem:$0x3FFE];
	_ =	sdelay $0x1  }
0x8a: {  	s1 =	srdreg.scid  }
0x8b: {  	s0 =	sand.u32 $0x1, s1  }
0x8c: {  	s16 =	sshll.u32 s0, $0xA;
	s2 =	sadd.s32 s3, s2  }
0x8d: {  	s2 =	sadd.s32 s2, s16  }
0x8e: {  	[smem:$0x3FC3] =	sst s2  }
0x8f: {  	_ = 	snop  }
0x90: {  	(tm) =	ssettm $0x1  }
0x91: {  	s17 =	sld [smem:$0x3FFB];
	_ =	sdelay $0x3  }
0x92: {  	_ =	strace s17  }
0x93: {  	s2 =	sld [smem:$0x3FFC];
	_ =	sdelay $0x3  }
0x94: {  	_ =	strace s2  }
0x95: {  	s2 =	sld [smem:$0x3FFD];
	_ =	sdelay $0x3  }
0x96: {  	_ =	strace s2  }
0x97: {  	_ =	strace $0x8FFFFFFF  }
0x98: {  	s18 =	sld [smem:$0x3FDB];
	_ =	sdelay $0x1  }
0x99: {  	s19 =	simm.s32 $_scs_section_size  }
0x9a: {  	s4 =	simm.s32 $_size__tile_overlayer_lowered;
	s5 =	simm.s32 $_tile_overlayer_lowered  }
0x9b: {  	s22 =	simm.s32 $0x1BFF;
	s21 =	sshll.u32 s5, $0x1;
	s2 =	sadd.s32 s19, s18  }
0x9c: {  	s6 =	simm.s32 $0x0;
	s20 =	sshll.u32 s4, $0x1;
	s4 =	sadd.s32 s21, s2  }
0x9d: {  	[timem:s6], [sflag:s22] =	dma.local [hbm:s4], s20  }
0x9e: {  	_ =	swait.ge [sflag:s22], s20  }
0x9f: {  	s3 =	ssub.s32 $0x0, s20;
	[sflag:s22] =	ssyncset.done $0x0  }
0xa0: {  	[sflag:s22] =	ssyncadd.s32 s3;
	_ =	sdelay $0x1  }
0xa1: {  	s23 =	simm.s32 $0x1B8B  }
0xa2: {  	_ =	swait.ge [sflag:s23], $0x1  }
0xa3: {  	[sflag:s23] =	ssyncset.done $0x0  }
0xa4: {  	s25 =	simm.s32 $0x1B8E;
	s24 =	sld [smem:$0x3FFE];
	[sflag:s23] =	ssyncadd.s32 $0xFFFFFFFF  }
0xa5: {  	s26 =	simm.s32 $execute0_lowered;
	[smem:$0x3FD2] =	sst s25  }
0xa6: {  	s4 =	sshll.u32 s26, $0x1;
	_ =	strace $0x80000046;
	[dreg:$0x1] =	wrdreg $0xFFFFFFFF  }
0xa7: {  	s28 =	simm.s32 $_size_execute0_lowered;
	s2 =	sadd.s32 s2, s4;
	[dreg:$0x0] =	wrdreg $0x0  }
0xa8: {  	s4 =	sshll.u32 s28, $0x1;
	[dreg:$0x2] =	wrdreg s2  }
0xa9: {  	[dreg:$0x3] =	wrdreg s4  }
0xaa: {  	[dreg:$0x4] =	wrdreg $0xC0  }
0xab: {  	_ =	task [dreg:s6], $0x5FFFF  }
0xac: {  	[dreg:$0x1] =	wrdreg $0xFFFFFFFF  }
0xad: {  	[dreg:$0x0] =	wrdreg $0x60  }
0xae: {  	[dreg:$0x2] =	wrdreg s24  }
0xaf: {  	[dreg:$0x3] =	wrdreg $0x9  }
0xb0: {  	_ =	task.clear_ibuf [dreg:s6], $0x4FFFF;
	_ =	strace $0x90000046  }
0xb1: {  	s29 =	simm.s32 $0x9;
	_ =	strace $0x80000048  }
0xb2: {  	_ =	swait.ge [sflag:s29], $0x1  }
0xb3: {  	[sflag:s29] =	ssyncadd.s32 $0xFFFFFFFF  }
0xb4: {  	_ =	strace $0x90000048  }
0xb5: {  	_ =	sfence  }
0xb6: {  	s30 =	sld [smem:$0x0];
	_ =	sdelay $0x2  }
0xb7: {  	s31 =	sshll.u32 s1, $0xD;
	s1 =	sshrl.u32 s1, $0x2  }
0xb8: {  	s3 =	sand.u32 $0x4000, s31;
	s1 =	sadd.s32 s1, s30  }
0xb9: {  	s0 =	sor.u32 s3, s0;
	s1 =	sshll.u32 s1, $0x11  }
0xba: {  	s0 =	sor.u32 s1, s0  }
0xbb: {  	s0 =	sadd.s32 $0x8F2B, s0  }
0xbc: {  	[sflag:s0] =	ssyncadd.remote.s32 $0x1  }
0xbd: {  	_ =	sfence.sel $0xFFFF  }
0xbe: {  	[dreg:$0x0] =	wrdreg $0xFFFFFFFF;
	(pc) =	sbr.abs _section_cstart, $3  }
0xbf: {  	[dreg:$0x1] =	wrdreg $0xFFFFFFFF  }
0xc0: {  	_ =	task.clear_ibuf [dreg:s6], $0x2FFFF;
	_ =	strace $0x9FFFFFFF  }
0xc1: {  	(tm) =	ssettm $0x7FFFFFFF  }
tec
execute0_lowered:
.L_overlay_start_1:
0x0: {  	(tag) =	ssettag $0x1  }
0x1: {  	s0 =	srdreg.scid  }
0x2: {  	s1 =	stileid.u32;
	s6 =	rddreg [dreg:$0x0];
	s7 =	simm.s32 $0x0  }
0x3: {  	s15 =	simm.s32 $0x2980;
	s0 =	sand.u32 $0x1, s0;
	s1 =	sshll.u32 s1, $0x1  }
0x4: {  	[smem:$0x7FF] =	sst s7;
	s4 =	sadd.s32 $0xB600, s6;
	s23 =	sadd.s32 $0x1000, s6  }
0x5: {  	s28 =	sadd.s32 $0xB378, s6;
	_ =	strace $0x80000047;
	[dreg:$0x2] =	wrdreg s4  }
0x6: {  	s29 =	sadd.s32 $0x8178, s6;
	s30 =	sadd.s32 $0x4F78, s6;
	[dreg:$0x3] =	wrdreg s23  }
0x7: {  	s1 =	sor.u32 s0, s1;
	s0 =	ssub.s32 $0x2, s0;
	[dreg:$0x7] =	wrdreg s28  }
0x8: {  	[dreg:$0x8] =	wrdreg s29;
	s2 =	smul.u32 $0xC40, s1;
	s24 =	sshll.u32 s1, $0x4  }
0x9: {  	[dreg:$0x9] =	wrdreg s30;
	s5 =	sshrl.u32 s0, $0x1;
	s4 =	sadd.s32 s24, s6  }
0xa: {  	s0 =	ssub.s32 s0, s5;
	s3 =	sshrl.u32 s2, $0x3;
	s31 =	sadd.s32 $0xB800, s4  }
0xb: {  	s0 =	smax.u32 s0, $0x1;
	s3 =	sadd.s32 s3, s6;
	[dreg:$0xa] =	wrdreg s31  }
0xc: {  	s16 =	simm.s32 $0xA980;
	[dreg:$0xb] =	wrdreg s0;
	s25 =	sadd.s32 $0x8400, s3  }
0xd: {  	s2 =	ssub.s32 $0x186A0, s2;
	s26 =	sadd.s32 $0x5200, s3;
	[dreg:$0x4] =	wrdreg s25  }
0xe: {  	s2 =	sshrl.u32 s2, $0x4;
	s3 =	sadd.s32 $0x2000, s3;
	[dreg:$0x5] =	wrdreg s26  }
0xf: {  	p0 =	seq.s32 s1, $0x1F;
	s2 =	smin.u32 s2, $0xC4;
	[dreg:$0x6] =	wrdreg s3  }
0x10: {  	s14 =	sshll.u32 s2, $0x4;
	s3 =	simm.s32 $0x3;
	s2 =	simm.s32 $0x0  }
.LBB2_1:
0x11: {  	[dreg:$0xc] =	wrdreg s2  }
0x12: {  	s0 =	rddreg [dreg:$0x0]  }
0x13: {  	[tilespmem:s15], [sflag:$0x1] =	stream.linear.gather [hbm4b:s0+s7], $0x8000, $0x38;
	[tilespmem:$0x1BE00] =	vst v63  }
0x14: {  	s6 =	rddreg [dreg:$0x3]  }
0x15: {  	[tilespmem:s16], [sflag:$0x1] =	stream.linear.gather [hbm4b:s6+s7], $0x8000, $0x38;
	[tilespmem:$0x1BE00] =	vst v63  }
0x16: {  	s1 =	simm.s32 @p0 $0x400;
	s2 =	rddreg [dreg:$0x7];
	s0 =	simm.s32 @p0 $0x0  }
0x17: {  	[tilespmem:s1], [sflag:$0x2] =	stream.linear.gather @p0 [hbm4b:s2+s0], $0xAE0, $0x38;
	[tilespmem:$0x1BE00] =	vst v63  }
0x18: {  	s1 =	simm.s32 @p0 $0x1080;
	s2 =	rddreg [dreg:$0x8]  }
0x19: {  	[tilespmem:s1], [sflag:$0x2] =	stream.linear.gather @p0 [hbm4b:s2+s0], $0xAE0, $0x38;
	[tilespmem:$0x1BE00] =	vst v63  }
0x1a: {  	s1 =	simm.s32 @p0 $0x1D00;
	s2 =	rddreg [dreg:$0x9]  }
0x1b: {  	[tilespmem:s1], [sflag:$0x2] =	stream.linear.gather @p0 [hbm4b:s2+s0], $0xAE0, $0x38;
	[tilespmem:$0x1BE00] =	vst v63  }
0x1c: {  	s0 =	simm.s32 @!p0 $0x0;
	s1 =	simm.s32 @!p0 $0x400;
	s2 =	rddreg [dreg:$0x4]  }
0x1d: {  	[tilespmem:s1], [sflag:$0x2] =	stream.linear.gather @!p0 [hbm4b:s2+s0], $0xC40, $0x38;
	[tilespmem:$0x1BE00] =	vst v63  }
0x1e: {  	s1 =	simm.s32 @!p0 $0x1080;
	s2 =	rddreg [dreg:$0x5]  }
0x1f: {  	[tilespmem:s1], [sflag:$0x2] =	stream.linear.gather @!p0 [hbm4b:s2+s0], $0xC40, $0x38;
	[tilespmem:$0x1BE00] =	vst v63  }
0x20: {  	s1 =	simm.s32 @!p0 $0x1D00;
	s2 =	rddreg [dreg:$0x6]  }
0x21: {  	[tilespmem:s1], [sflag:$0x2] =	stream.linear.gather @!p0 [hbm4b:s2+s0], $0xC40, $0x38;
	[tilespmem:$0x1BE00] =	vst v63  }
0x22: {  	s8 =	rddreg [dreg:$0x2]  }
0x23: {  	[tilespmem:s7], [sflag:$0x3] =	stream.linear.gather [hbm4b:s8+s7], $0x400, $0x38;
	[tilespmem:$0x1BE00] =	vst v63  }
0x24: {  	_ =	swait.ge [sflag:s3], $0x400  }
0x25: {  	[sflag:s3] =	ssyncset.done $0x0  }
0x26: {  	[sflag:s3] =	ssyncadd.s32 $0xFFFFFC00  }
0x27: {  	v0 =	vld [tilespmem:$0x380]  }
0x28: {  	v1 =	vld [tilespmem:$0x0];
	_ =	sdelay $0x3  }
0x29: {  	(v2sf) =	vpush v0, $0x0  }
0x2a: {  	(v2sf) =	vpush v1, $0x0  }
0x2b: {  	(v2sf) =	vpush v1, $0x1;
	_ =	sdelay $0x1  }
0x2c: {  	(v2sf) =	vpush v1, $0x2;
	_ =	sdelay $0xa  }
0x2d: {  	s21 =	spop (v2sf)  }
0x2e: {  	s4 =	spop (v2sf)  }
0x2f: {  	s7 =	spop (v2sf);
	s9 =	smul.f32 s4, s4  }
0x30: {  	s10 =	smul.f32 s7, s7  }
0x31: {  	s2 =	spop (v2sf)  }
0x32: {  	s11 =	smul.f32 s2, s2;
	s0 =	sadd.f32 s10, s9  }
0x33: {  	_ = 	snop  }
0x34: {  	s0 =	sadd.f32 s0, s11;
	_ =	sdelay $0x1  }
0x35: {  	v0 =	vmov s0  }
0x36: {  	(erf) = vrcp.f32 v0;
	_ =	sdelay $0x5  }
0x37: {  	v0 =	vld [tilespmem:$0x80];
	_ =	sdelay $0x2  }
0x38: {  	(v2sf) =	vpush v1, $0x3;
	v1 =	vpop (erf)  }
0x39: {  	(v2sf) =	vpush v1, $0x0  }
0x3a: {  	(v2sf) =	vpush v0, $0x0  }
0x3b: {  	(v2sf) =	vpush v0, $0x1;
	_ =	sdelay $0x1  }
0x3c: {  	(v2sf) =	vpush v0, $0x2;
	_ =	sdelay $0x9  }
0x3d: {  	s12 =	spop (v2sf)  }
0x3e: {  	s6 =	spop (v2sf)  }
0x3f: {  	s5 =	spop (v2sf)  }
0x40: {  	s1 =	spop (v2sf);
	s8 =	smul.f32 s5, s5  }
0x41: {  	s9 =	smul.f32 s1, s1  }
0x42: {  	s3 =	spop (v2sf)  }
0x43: {  	s17 =	smul.f32 s3, s3;
	s8 =	sadd.f32 s9, s8  }
0x44: {  	_ = 	snop  }
0x45: {  	s8 =	sadd.f32 s8, s17;
	_ =	sdelay $0x1  }
0x46: {  	v1 =	vmov s8  }
0x47: {  	(erf) = vrcp.f32 v1;
	_ =	sdelay $0x5  }
0x48: {  	v1 =	vld [tilespmem:$0x100];
	_ =	sdelay $0x2  }
0x49: {  	(v2sf) =	vpush v0, $0x3;
	v0 =	vpop (erf)  }
0x4a: {  	(v2sf) =	vpush v0, $0x0  }
0x4b: {  	(v2sf) =	vpush v1, $0x0  }
0x4c: {  	(v2sf) =	vpush v1, $0x1;
	_ =	sdelay $0x1  }
0x4d: {  	(v2sf) =	vpush v1, $0x2;
	_ =	sdelay $0x9  }
0x4e: {  	s6 =	smul.f32 $-6.400000000e+01, s6;
	s11 =	spop (v2sf)  }
0x4f: {  	s13 =	spop (v2sf)  }
0x50: {  	s20 =	smul.f32 s6, s7;
	s9 =	spop (v2sf)  }
0x51: {  	s25 =	spop (v2sf);
	s18 =	smul.f32 s9, s9  }
0x52: {  	s10 =	smul.f32 s25, s25  }
0x53: {  	s22 =	smul.f32 s20, s4;
	s0 =	spop (v2sf)  }
0x54: {  	s19 =	smul.f32 s0, s0;
	s8 =	sadd.f32 s10, s18  }
0x55: {  	s23 =	smul.f32 s20, s2  }
0x56: {  	s17 =	smul.f32 s6, s12;
	s8 =	sadd.f32 s8, s19  }
0x57: {  	s12 =	smul.f32 s6, s4  }
0x58: {  	s6 =	smul.f32 s6, s2;
	v0 =	vmov s8  }
0x59: {  	s26 =	smul.f32 s12, s4;
	(erf) = vrcp.f32 v0  }
0x5a: {  	s24 =	smul.f32 s6, s4  }
0x5b: {  	s29 =	smul.f32 s6, s7  }
0x5c: {  	s28 =	smul.f32 s17, s7  }
0x5d: {  	s30 =	smul.f32 s17, s2  }
0x5e: {  	s18 =	smul.f32 s12, s7  }
0x5f: {  	s12 =	smul.f32 s12, s2  }
0x60: {  	s19 =	smul.f32 s20, s7  }
0x61: {  	[dreg:$0x1b] =	wrdreg s18;
	s18 =	smul.f32 s6, s2  }
0x62: {  	(v2sf) =	vpush v1, $0x3;
	s8 =	smul.f32 $-6.400000000e+01, s13;
	v0 =	vpop (erf)  }
0x63: {  	s20 =	smul.f32 s17, s4;
	(v2sf) =	vpush v0, $0x0  }
0x64: {  	s10 =	smul.f32 s8, s5  }
0x65: {  	s11 =	smul.f32 s8, s11  }
0x66: {  	s13 =	smul.f32 s8, s1  }
0x67: {  	s4 =	smul.f32 s8, s3  }
0x68: {  	[dreg:$0x18] =	wrdreg s23;
	s23 =	smul.f32 s10, s5  }
0x69: {  	[dreg:$0x1d] =	wrdreg s12;
	s12 =	smul.f32 s10, s1  }
0x6a: {  	s2 =	smul.f32 s10, s3  }
0x6b: {  	[dreg:$0x19] =	wrdreg s22;
	s17 =	smul.f32 s13, s5  }
0x6c: {  	[dreg:$0x17] =	wrdreg s24;
	s22 =	smul.f32 s13, s3  }
0x6d: {  	[dreg:$0x13] =	wrdreg s29;
	s24 =	smul.f32 s4, s5;
	v0 =	vld [tilespmem:$0x180]  }
0x6e: {  	s29 =	smul.f32 s4, s1;
	[dreg:$0x1a] =	wrdreg s12  }
0x6f: {  	s10 =	smul.f32 s4, s3;
	[dreg:$0x1c] =	wrdreg s2  }
0x70: {  	s31 =	smul.f32 s11, s1;
	[dreg:$0x16] =	wrdreg s17  }
0x71: {  	s12 =	smul.f32 s13, s1;
	s2 =	spop (v2sf)  }
0x72: {  	s17 =	smul.f32 s11, s5;
	(v2sf) =	vpush v0, $0x1;
	s4 =	spop (v2sf)  }
0x73: {  	s1 =	smul.f32 $-6.400000000e+01, s4  }
0x74: {  	[dreg:$0x12] =	wrdreg s29;
	s29 =	smul.f32 s11, s3;
	(v2sf) =	vpush v0, $0x2  }
0x75: {  	v1 =	vld [tilespmem:$0x200];
	s6 =	smul.f32 s1, s9  }
0x76: {  	[dreg:$0x15] =	wrdreg s24;
	s24 =	smul.f32 s1, s2  }
0x77: {  	s11 =	smul.f32 s1, s25  }
0x78: {  	v2 =	vld [tilespmem:$0x280];
	(v2sf) =	vpush v0, $0x3;
	s1 =	smul.f32 s1, s0  }
0x79: {  	[dreg:$0x14] =	wrdreg s22;
	s22 =	smul.f32 s6, s9  }
0x7a: {  	(v2sf) =	vpush v1, $0x1;
	s7 =	smul.f32 s6, s25  }
0x7b: {  	v0 =	vld [tilespmem:$0x300];
	(v2sf) =	vpush v1, $0x2;
	s8 =	smul.f32 s6, s0  }
0x7c: {  	(v2sf) =	vpush v1, $0x3;
	s4 =	smul.f32 s11, s9  }
0x7d: {  	(v2sf) =	vpush v2, $0x1;
	s13 =	smul.f32 s11, s25  }
0x7e: {  	s26 =	sadd.f32 $3.200000000e+01, s26;
	(v2sf) =	vpush v2, $0x2;
	s5 =	smul.f32 s11, s0  }
0x7f: {  	s10 =	sadd.f32 $3.200000000e+01, s10;
	(v2sf) =	vpush v2, $0x3;
	s6 =	smul.f32 s1, s9  }
0x80: {  	s12 =	sadd.f32 $3.200000000e+01, s12;
	(v2sf) =	vpush v0, $0x1;
	s11 =	smul.f32 s1, s0  }
0x81: {  	(v2sf) =	vpush v0, $0x2;
	s2 =	spop (v2sf);
	s9 =	smul.f32 s24, s9  }
0x82: {  	(v2sf) =	vpush v0, $0x3;
	s0 =	smul.f32 s24, s0;
	[smem:$0x7F8] =	sst s7  }
0x83: {  	s3 =	spop (v2sf);
	[smem:$0x7F9] =	sst s8  }
0x84: {  	s2 =	smul.f32 s2, s2;
	[smem:$0x7FB] =	sst s4  }
0x85: {  	[dreg:$0x1f] =	wrdreg s5;
	s7 =	smul.f32 s1, s25  }
0x86: {  	[smem:$0x7FD] =	sst s6;
	s8 =	smul.f32 s24, s25  }
0x87: {  	s4 =	spop (v2sf);
	s25 =	smul.f32 $3.200000000e+01, s21  }
0x88: {  	[smem:$0x7FC] =	sst s0;
	s24 =	smul.f32 s3, s3  }
0x89: {  	s1 =	spop (v2sf);
	s2 =	smul.f32 $-3.200000000e+01, s2  }
0x8a: {  	s4 =	smul.f32 s4, s4;
	s5 =	spop (v2sf)  }
0x8b: {  	[dreg:$0x1e] =	wrdreg s7;
	s6 =	spop (v2sf)  }
0x8c: {  	[smem:$0x7FA] =	sst s8;
	s0 =	spop (v2sf)  }
0x8d: {  	s21 =	smul.f32 $-3.200000000e+01, s24;
	s7 =	spop (v2sf)  }
0x8e: {  	s1 =	smul.f32 s1, s1;
	s8 =	spop (v2sf)  }
0x8f: {  	[dreg:$0xe] =	wrdreg s2;
	s3 =	spop (v2sf)  }
0x90: {  	s4 =	smul.f32 $-3.200000000e+01, s4;
	s2 =	spop (v2sf)  }
0x91: {  	s24 =	simm.s32 @p0 $0x2;
	[dreg:$0xd] =	wrdreg s21;
	s21 =	spop (v2sf)  }
0x92: {  	s1 =	smul.f32 $-3.200000000e+01, s1;
	_ =	swait.ge @p0 [sflag:s24], $0xAE0;
	[dreg:$0xf] =	wrdreg s4  }
0x93: {  	s4 =	sadd.f32 $3.200000000e+01, s19  }
0x94: {  	[dreg:$0x10] =	wrdreg s1  }
0x95: {  	s5 =	smul.f32 s5, s5;
	s1 =	sadd.f32 $3.200000000e+01, s18  }
0x96: {  	s6 =	smul.f32 s6, s6;
	s18 =	sadd.f32 s20, s25;
	[sflag:s24] =	ssyncset.done @p0 $0x0  }
0x97: {  	s5 =	smul.f32 $-3.200000000e+01, s5;
	s19 =	sadd.f32 s28, s25;
	[sflag:s24] =	ssyncadd.s32 @p0 $0xFFFFF520  }
0x98: {  	s28 =	smul.f32 $-3.200000000e+01, s6;
	s6 =	sadd.f32 $3.200000000e+01, s23;
	_ =	swait.ge @p0 [sflag:s24], $0xAE0  }
0x99: {  	s20 =	sadd.f32 s17, s25;
	[sflag:s24] =	ssyncset.done @p0 $0x0  }
0x9a: {  	[dreg:$0x11] =	wrdreg s5;
	[sflag:s24] =	ssyncadd.s32 @p0 $0xFFFFF520  }
0x9b: {  	v5 =	vmov s4;
	s4 =	sadd.f32 s31, s25;
	_ =	swait.ge @p0 [sflag:s24], $0xAE0  }
0x9c: {  	v7 =	vmov s19;
	s19 =	sadd.f32 s29, s25;
	[sflag:s24] =	ssyncset.done @p0 $0x0  }
0x9d: {  	v0 =	vmov s26;
	[sflag:s24] =	ssyncadd.s32 @p0 $0xFFFFF520;
	s24 =	rddreg [dreg:$0x1b]  }
0x9e: {  	[tilespmem:$0x1FFD0] =	vst v0;
	s26 =	rddreg [dreg:$0x1d];
	v0 =	vmov s24  }
0x9f: {  	v12 =	vmov s6;
	s6 =	sadd.f32 $3.200000000e+01, s22;
	[tilespmem:$0x1FFE0] =	vst v0;
	v0 =	vmov s26  }
0xa0: {  	s23 =	simm.s32 @!p0 $0x2;
	s5 =	sadd.f32 s30, s25;
	[tilespmem:$0x1FFF0] =	vst v0  }
0xa1: {  	v15 =	vmov s4;
	s4 =	sadd.f32 $3.200000000e+01, s11;
	_ =	swait.ge @!p0 [sflag:s23], $0xC40  }
0xa2: {  	s7 =	smul.f32 s7, s7;
	v3 =	vmov s18;
	s18 =	rddreg [dreg:$0x19]  }
0xa3: {  	[sflag:s23] =	ssyncset.done @!p0 $0x0;
	s24 =	rddreg [dreg:$0x18]  }
0xa4: {  	s30 =	smul.f32 $-3.200000000e+01, s7;
	s7 =	rddreg [dreg:$0x17];
	[sflag:s23] =	ssyncadd.s32 @!p0 $0xFFFFF3C0  }
0xa5: {  	v4 =	vmov s18;
	s18 =	rddreg [dreg:$0x13];
	_ =	swait.ge @!p0 [sflag:s23], $0xC40  }
0xa6: {  	s17 =	smul.f32 s8, s8;
	v6 =	vmov s24;
	s24 =	rddreg [dreg:$0x1a]  }
0xa7: {  	s29 =	rddreg [dreg:$0x1c]  }
0xa8: {  	s31 =	smul.f32 $-3.200000000e+01, s17;
	[sflag:s23] =	ssyncset.done @!p0 $0x0;
	s17 =	rddreg [dreg:$0x16]  }
0xa9: {  	s22 =	rddreg [dreg:$0x14];
	[sflag:s23] =	ssyncadd.s32 @!p0 $0xFFFFF3C0  }
0xaa: {  	v13 =	vmov s24;
	s24 =	rddreg [dreg:$0x15];
	_ =	swait.ge @!p0 [sflag:s23], $0xC40  }
0xab: {  	s3 =	smul.f32 s3, s3;
	v8 =	vmov s7;
	s7 =	sadd.f32 s9, s25;
	[sflag:s23] =	ssyncset.done @!p0 $0x0  }
0xac: {  	v9 =	vmov s18;
	s18 =	sadd.f32 $3.200000000e+01, s13;
	[sflag:s23] =	ssyncadd.s32 @!p0 $0xFFFFF3C0;
	s23 =	simm.s32 $0x1080  }
0xad: {  	v16 =	vmov s20;
	s20 =	smul.f32 $-3.200000000e+01, s3;
	s3 =	rddreg [dreg:$0x12];
	v40 =	vld [tilespmem:s23+$0x0]  }
0xae: {  	v23 =	vmov s10;
	v18 =	vmov s12;
	s0 =	smul.f32 s0, s0;
	v31 =	vmov s18;
	s18 =	simm.s32 $0x400;
	s9 =	sld [smem:$0x7F8];
	v0 =	vld [tilespmem:$0x1FFE0]  }
0xaf: {  	v10 =	vmov s1;
	v14 =	vmov s29;
	s29 =	smul.f32 s2, s2;
	v21 =	vmov s24;
	s24 =	simm.s32 $0x1D00;
	s10 =	sld [smem:$0x7F9];
	v41 =	vld [tilespmem:s18+$0x0]  }
0xb0: {  	v24 =	vmov s19;
	v26 =	vmov s6;
	s26 =	smul.f32 $-3.200000000e+01, s0;
	v20 =	vmov s22;
	s22 =	sld [smem:$0x7FD];
	v37 =	vld [tilespmem:s24+$0x0]  }
0xb1: {  	v11 =	vmov s5;
	v34 =	vmov s4;
	v19 =	vmov s7;
	s0 =	smul.f32 $-3.200000000e+01, s29;
	s29 =	rddreg [dreg:$0x1e]  }
0xb2: {  	v17 =	vmov s17;
	s11 =	sld [smem:$0x7FA];
	v35 =	vmov s29;
	v42 =	vmul.f32 v40, v5  }
0xb3: {  	s12 =	sld [smem:$0x7FB];
	v27 =	vmov s9;
	v36 =	vmul.f32 v40, v35;
	v38 =	vmul.f32 v40, v0  }
0xb4: {  	s13 =	sld [smem:$0x7FC];
	v33 =	vmov s22;
	v44 =	vmul.f32 v40, v27;
	v43 =	vmul.f32 v40, v9;
	v0 =	vld [tilespmem:$0x1FFF0]  }
0xb5: {  	s8 =	smul.f32 s21, s21;
	s21 =	rddreg [dreg:$0x1f];
	v22 =	vmov s3;
	v39 =	vmul.f32 v41, v33;
	v45 =	vmul.f32 v37, v6  }
0xb6: {  	v32 =	vmov s21;
	v46 =	vmul.f32 v37, v10;
	v47 =	vmul.f32 v41, v17  }
0xb7: {  	v29 =	vmov s10;
	s3 =	sadd.f32 s11, s25;
	v48 =	vmul.f32 v41, v21;
	v49 =	vmul.f32 v40, v31  }
0xb8: {  	v30 =	vmov s12;
	s17 =	sadd.f32 s13, s25;
	v50 =	vmul.f32 v40, v22;
	v53 =	vmul.f32 v37, v23  }
0xb9: {  	v28 =	vmov s3;
	v62 =	vmul.f32 v41, v4;
	v52 =	vmul.f32 v37, v0;
	v0 =	vld [tilespmem:$0x1FFD0]  }
0xba: {  	v25 =	vmov s17;
	v56 =	vmul.f32 v41, v30;
	v63 =	vmul.f32 v41, v8  }
0xbb: {  	v55 =	vmul.f32 v40, v18;
	v48 =	vadd.f32 v50, v48;
	v42 =	vadd.f32 v42, v62  }
0xbc: {  	v57 =	vmul.f32 v41, v12;
	v49 =	vadd.f32 v49, v56;
	v43 =	vadd.f32 v43, v63  }
0xbd: {  	v47 =	vadd.f32 v55, v47;
	v55 =	vmul.f32 v41, v26;
	v42 =	vadd.f32 v45, v42  }
0xbe: {  	v61 =	vadd.f32 v53, v48;
	v60 =	vadd.f32 v46, v43;
	v54 =	vmul.f32 v41, v0  }
0xbf: {  	v40 =	vmul.f32 v40, v13;
	v44 =	vadd.f32 v44, v55;
	v43 =	vadd.f32 v42, v7  }
0xc0: {  	v51 =	vmul.f32 v37, v20;
	v42 =	vadd.f32 v60, v11;
	v54 =	vadd.f32 v38, v54  }
0xc1: {  	v50 =	vmul.f32 v37, v14;
	v38 =	vadd.f32 v61, v24;
	v61 =	vadd.f32 v40, v57  }
0xc2: {  	v46 =	vadd.f32 v51, v47;
	v52 =	vadd.f32 v52, v54;
	v54 =	vmul.f32 v37, v32  }
0xc3: {  	v58 =	vmax.f32 v38, $0.0e+00;
	v56 =	vadd.f32 v50, v61;
	v61 =	vmax.f32 v42, $0.0e+00  }
0xc4: {  	p1 =	seq.s32 s14, $0x10;
	s19 =	smul.f32 $-3.200000000e+01, s8;
	v59 =	vmin.f32 v58, $3.100000000e+01;
	v58 =	vmul.f32 v37, v29;
	v41 =	vadd.f32 v52, v3  }
.Ltmp0:
0xc5: {  	s6 =	simm.s32 $0x14F00;
	v62 =	vtrunc.f32 v59;
	v59 =	vmax.f32 v43, $0.0e+00;
	v47 =	vadd.f32 v54, v49;
	(pc) =	sbr.rel @p1 .LBB2_3-.Ltmp0, $4  }
0xc6: {  	s8 =	simm.s32 $0x10;
	s5 =	simm.s32 $0x13640;
	s4 =	simm.s32 $0x17400;
	v40 =	vcvt.f32.s32 v62;
	v62 =	vmin.f32 v59, $3.100000000e+01;
	v63 =	vmax.f32 v41, $0.0e+00  }
0xc7: {  	s7 =	simm.s32 $0x0;
	s2 =	simm.s32 $0x19900;
	s9 =	simm.s32 $0x17410;
	v45 =	vadd.f32 v58, v44;
	v44 =	vtrunc.f32 v62;
	v57 =	vmin.f32 v63, $3.100000000e+01  }
0xc8: {  	s10 =	simm.s32 $0x19910;
	s11 =	simm.s32 $0x410;
	s12 =	simm.s32 $0x1090;
	v63 =	vmin.f32 v61, $3.100000000e+01;
	v49 =	vcvt.f32.s32 v44;
	v60 =	vtrunc.f32 v57  }
0xc9: {  	s13 =	simm.s32 $0x1D10;
	s3 =	simm.s32 $0x13640;
	s17 =	simm.s32 $0x14F00;
	v44 =	vadd.f32 v56, v16;
	v50 =	vtrunc.f32 v63;
	v48 =	vcvt.f32.s32 v60  }
.LBB2_2:
0xca: {  	v51 =	vld [tilespmem:s12+$0x0];
	v50 =	vcvt.f32.s32 v50;
	v52 =	vmul.f32 v37, v34;
	v46 =	vadd.f32 v46, v15  }
0xcb: {  	v36 =	vadd.f32 v36, v39;
	v45 =	vadd.f32 v45, v19;
	v0 =	vld [tilespmem:$0x1FFE0];
	v61 =	vmax.f32 v44, $0.0e+00  }
0xcc: {  	v37 =	vld [tilespmem:s13+$0x0];
	v60 =	vshll.u32 v49, $0x5;
	v62 =	vmin.f32 v61, $3.100000000e+01;
	v55 =	vmax.f32 v46, $0.0e+00  }
0xcd: {  	v53 =	vld [tilespmem:s11+$0x0];
	[tilespmem:s5+$0xFFFFF3C0] =	vst v41;
	v47 =	vadd.f32 v47, v28;
	v39 =	vtrunc.f32 v62;
	v41 =	vmin.f32 v55, $3.100000000e+01  }
0xce: {  	v50 =	vadd.s32 v50, v60;
	v39 =	vcvt.f32.s32 v39;
	v41 =	vtrunc.f32 v41  }
0xcf: {  	v49 =	vadd.f32 v52, v36;
	v54 =	vmul.f32 v51, v5;
	v36 =	vmul.f32 v51, v35  }
0xd0: {  	v63 =	vmax.f32 v47, $0.0e+00;
	v56 =	vmul.f32 v51, v0;
	v57 =	vmul.f32 v51, v27  }
0xd1: {  	v52 =	vmin.f32 v63, $3.100000000e+01;
	v59 =	vmul.f32 v51, v9;
	v60 =	vmul.f32 v37, v6  }
0xd2: {  	v48 =	vshll.u32 v48, $0xA;
	[tilespmem:s6+$0x0] =	vst v43;
	v55 =	vmul.f32 v37, v10;
	v52 =	vtrunc.f32 v52  }
0xd3: {  	[tilespmem:s4+$0x0] =	vst v42;
	v48 =	vadd.s32 v48, v50;
	v61 =	vmul.f32 v53, v17;
	v42 =	vmul.f32 v53, v21  }
0xd4: {  	v43 =	vmax.f32 v45, $0.0e+00;
	[tilespmem:s2+$0x0] =	vst v48;
	v50 =	vmul.f32 v51, v31;
	v48 =	vmul.f32 v51, v22;
	v0 =	vld [tilespmem:$0x1FFF0]  }
0xd5: {  	v49 =	vadd.f32 v49, v25;
	v41 =	vcvt.f32.s32 v41;
	v62 =	vmul.f32 v37, v20  }
0xd6: {  	v43 =	vmin.f32 v43, $3.100000000e+01;
	v63 =	vmul.f32 v37, v14;
	v1 =	vmul.f32 v53, v30  }
0xd7: {  	[tilespmem:s5+$0x0] =	vst v44;
	v2 =	vmul.f32 v53, v26;
	v58 =	vshll.u32 v39, $0xA;
	v44 =	vmax.f32 v49, $0.0e+00  }
0xd8: {  	v39 =	vmul.f32 v53, v33;
	[tilespmem:s6+$0xC40] =	vst v46;
	v46 =	vcvt.f32.s32 v52;
	v44 =	vmin.f32 v44, $3.100000000e+01  }
0xd9: {  	v42 =	vadd.f32 v48, v42;
	v48 =	vmul.f32 v37, v23;
	v52 =	vmul.f32 v37, v0;
	v0 =	vld [tilespmem:$0x1FFD0]  }
0xda: {  	[tilespmem:s4+$0xC40] =	vst v38;
	v38 =	vmul.f32 v51, v18;
	v41 =	vshll.u32 v41, $0x5;
	v1 =	vadd.f32 v50, v1  }
0xdb: {  	v40 =	vadd.s32 v40, v41;
	v41 =	vtrunc.f32 v43;
	v43 =	vmul.f32 v53, v8  }
0xdc: {  	v2 =	vadd.f32 v57, v2;
	v40 =	vadd.s32 v58, v40;
	v42 =	vadd.f32 v48, v42  }
0xdd: {  	s18 =	sand.u32 $0xFFFFFFF0, s7;
	v58 =	vcvt.f32.s32 v41;
	[tilespmem:s2+$0xC40] =	vst v40;
	v40 =	vmul.f32 v53, v4;
	v59 =	vadd.f32 v59, v43  }
0xde: {  	[tilespmem:s18+$0x14280] =	vst v45;
	v45 =	vadd.f32 v38, v61;
	v38 =	vadd.f32 v42, v24;
	v0 =	vmul.f32 v53, v0  }
0xdf: {  	v44 =	vtrunc.f32 v44;
	v40 =	vadd.f32 v54, v40;
	v42 =	vadd.f32 v55, v59  }
0xe0: {  	v61 =	vmul.f32 v53, v12;
	v58 =	vshll.u32 v58, $0xA;
	v0 =	vadd.f32 v56, v0  }
0xe1: {  	v59 =	vshll.u32 v46, $0x5;
	v54 =	vadd.f32 v60, v40;
	v42 =	vadd.f32 v42, v11  }
0xe2: {  	v60 =	vmul.f32 v37, v29;
	v0 =	vadd.f32 v52, v0;
	v52 =	vmul.f32 v51, v13  }
0xe3: {  	v46 =	vadd.f32 v62, v45;
	v53 =	vmax.f32 v38, $0.0e+00;
	v56 =	vmul.f32 v37, v32  }
0xe4: {  	v62 =	vmax.f32 v42, $0.0e+00;
	v45 =	vadd.f32 v60, v2;
	v43 =	vadd.f32 v52, v61  }
0xe5: {  	s1 =	smov.u32 s8;
	s8 =	sadd.s32 $0x10, s8;
	[tilespmem:s18+$0x16780] =	vst v47;
	v47 =	vadd.f32 v56, v1;
	v41 =	vadd.f32 v0, v3;
	v0 =	vmin.f32 v53, $3.100000000e+01  }
0xe6: {  	p1 =	seq.s32 s14, s8;
	v0 =	vtrunc.f32 v0;
	v51 =	vadd.f32 v63, v43;
	v43 =	vadd.f32 v54, v7  }
.Ltmp1:
0xe7: {  	v40 =	vcvt.f32.s32 v0;
	v0 =	vcvt.f32.s32 v44;
	v55 =	vmax.f32 v41, $0.0e+00;
	(pc) =	sbr.rel @!p1 .LBB2_2-.Ltmp1, $4  }
0xe8: {  	s3 =	sadd.s32 $0x10, s3;
	s17 =	sadd.s32 $0x10, s17;
	s11 =	sadd.s32 $0x10, s11;
	v63 =	vmin.f32 v62, $3.100000000e+01;
	v44 =	vmin.f32 v55, $3.100000000e+01;
	v61 =	vmax.f32 v43, $0.0e+00  }
0xe9: {  	s12 =	sadd.s32 $0x10, s12;
	s13 =	sadd.s32 $0x10, s13;
	s7 =	smov.u32 s1;
	v50 =	vtrunc.f32 v63;
	v0 =	vadd.s32 v0, v59;
	v2 =	vmin.f32 v61, $3.100000000e+01  }
0xea: {  	s5 =	smov.u32 s3;
	s6 =	smov.u32 s17;
	s4 =	smov.u32 s9;
	[tilespmem:s18+$0x18C80] =	vst v49;
	v44 =	vtrunc.f32 v44;
	v0 =	vadd.s32 v58, v0;
	v2 =	vtrunc.f32 v2  }
0xeb: {  	s9 =	sadd.s32 $0x10, s9;
	s2 =	smov.u32 s10;
	s10 =	sadd.s32 $0x10, s10;
	v48 =	vcvt.f32.s32 v44;
	v44 =	vadd.f32 v51, v16;
	[tilespmem:s18+$0x1B180] =	vst v0;
	v49 =	vcvt.f32.s32 v2  }
.LBB2_3:
0xec: {  	v1 =	vcvt.f32.s32 v50  }
0xed: {  	v2 =	vmul.f32 v37, v34;
	v5 =	vadd.f32 v36, v39;
	v6 =	vadd.f32 v46, v15  }
0xee: {  	v8 =	vadd.f32 v45, v19;
	v3 =	vshll.u32 v49, $0x5;
	v4 =	vmax.f32 v44, $0.0e+00  }
0xef: {  	v0 =	vshll.u32 v48, $0xA;
	v1 =	vadd.s32 v1, v3;
	v3 =	vmin.f32 v4, $3.100000000e+01  }
0xf0: {  	v4 =	vadd.f32 v47, v28;
	v2 =	vadd.f32 v2, v5;
	v5 =	vmax.f32 v6, $0.0e+00  }
0xf1: {  	[tilespmem:s5+$0xFFFFF3C0] =	vst v41;
	v3 =	vtrunc.f32 v3;
	v5 =	vmin.f32 v5, $3.100000000e+01;
	v0 =	vadd.s32 v0, v1  }
0xf2: {  	[tilespmem:s6+$0x0] =	vst v43;
	v3 =	vcvt.f32.s32 v3;
	v7 =	vmax.f32 v4, $0.0e+00;
	v5 =	vtrunc.f32 v5  }
0xf3: {  	[tilespmem:s4+$0x0] =	vst v42;
	v2 =	vadd.f32 v2, v25;
	v7 =	vmin.f32 v7, $3.100000000e+01;
	v1 =	vcvt.f32.s32 v5  }
0xf4: {  	[tilespmem:s2+$0x0] =	vst v0;
	v5 =	vmax.f32 v8, $0.0e+00;
	v3 =	vshll.u32 v3, $0xA;
	v7 =	vtrunc.f32 v7  }
0xf5: {  	[tilespmem:s5+$0x0] =	vst v44;
	v0 =	vmin.f32 v5, $3.100000000e+01;
	v5 =	vmax.f32 v2, $0.0e+00;
	v1 =	vshll.u32 v1, $0x5  }
0xf6: {  	[tilespmem:s6+$0xC40] =	vst v6;
	v5 =	vmin.f32 v5, $3.100000000e+01;
	v6 =	vcvt.f32.s32 v7;
	v1 =	vadd.s32 v40, v1  }
0xf7: {  	[tilespmem:s4+$0xC40] =	vst v38;
	v0 =	vtrunc.f32 v0;
	v1 =	vadd.s32 v3, v1;
	v3 =	vtrunc.f32 v5  }
0xf8: {  	s1 =	sand.u32 $0xFFFFFFF0, s7;
	v0 =	vcvt.f32.s32 v0;
	[tilespmem:s2+$0xC40] =	vst v1;
	v1 =	vcvt.f32.s32 v3  }
0xf9: {  	v3 =	vshll.u32 v6, $0x5;
	[tilespmem:s1+$0x14280] =	vst v8  }
0xfa: {  	v0 =	vshll.u32 v0, $0xA;
	[tilespmem:s1+$0x16780] =	vst v4;
	v1 =	vadd.s32 v1, v3  }
0xfb: {  	[tilespmem:s1+$0x18C80] =	vst v2;
	v0 =	vadd.s32 v0, v1  }
0xfc: {  	s18 =	simm.s32 $0x1;
	[tilespmem:s1+$0x1B180] =	vst v0  }
0xfd: {  	_ =	swait.ge [sflag:s18], $0x8000  }
0xfe: {  	[sflag:s18] =	ssyncset.done $0x0  }
0xff: {  	[sflag:s18] =	ssyncadd.s32 $0xFFFF8000  }
0x100: {  	_ =	swait.ge [sflag:s18], $0x8000  }
0x101: {  	[sflag:s18] =	ssyncset.done $0x0  }
0x102: {  	v9 =	vmov s30;
	s30 =	simm.s32 $0x1D00;
	s21 =	rddreg [dreg:$0xe];
	[sflag:s18] =	ssyncadd.s32 $0xFFFF8000  }
0x103: {  	s22 =	rddreg [dreg:$0xd];
	v1 =	vmov s21;
	s21 =	simm.s32 $0x400;
	v14 =	vld [tilespmem:s30+$0x0]  }
0x104: {  	v3 =	vmov s22;
	s22 =	simm.s32 $0x1080;
	v17 =	vld [tilespmem:s21+$0x0]  }
0x105: {  	v19 =	vld [tilespmem:s22+$0x0]  }
0x106: {  	v10 =	vmov s31  }
0x107: {  	v11 =	vmov s20;
	v12 =	vmov s0;
	v13 =	vmov s19  }
0x108: {  	v7 =	vmov s28;
	v2 =	vmov s25;
	v8 =	vmov s26;
	s23 =	rddreg [dreg:$0xf]  }
0x109: {  	s24 =	rddreg [dreg:$0x10];
	v4 =	vmov s23;
	v15 =	vmul.f32 v14, v10;
	v16 =	vmul.f32 v14, v13  }
0x10a: {  	s25 =	rddreg [dreg:$0x11];
	v5 =	vmov s24;
	v18 =	vmul.f32 v17, v11;
	v20 =	vmul.f32 v19, v12  }
0x10b: {  	v6 =	vmov s25;
	v21 =	vmul.f32 v14, v7;
	v25 =	vmul.f32 v17, v8  }
0x10c: {  	s29 =	simm.s32 $0x0;
	v14 =	vmul.f32 v14, v4;
	v27 =	vmul.f32 v19, v9;
	v22 =	vadd.f32 v15, v2  }
0x10d: {  	s31 =	sand.u32 $0xFFFFFFF0, s29;
	v28 =	vmul.f32 v17, v5;
	v23 =	vadd.f32 v16, v2;
	v15 =	vadd.f32 v18, v2  }
0x10e: {  	v26 =	vld [tilespmem:s31+$0x1B180];
	v29 =	vmul.f32 v19, v6;
	v24 =	vadd.f32 v21, v2;
	v16 =	vadd.f32 v20, v2  }
0x10f: {  	v19 =	vmul.f32 v19, v3;
	v18 =	vadd.f32 v25, v2;
	v25 =	vadd.f32 v14, v2  }
0x110: {  	v21 =	vmul.f32 v17, v1;
	v17 =	vadd.f32 v27, v2;
	v20 =	vadd.f32 v28, v2  }
0x111: {  	s26 =	simm.s32 $0x19900;
	v0 =	vimm.f32 $0.0e+00;
	v14 =	vadd.f32 v29, v2;
	v19 =	vadd.f32 v19, v2  }
0x112: {  	v55 =	vld [tilespmem:s26+$0x0];
	v21 =	vadd.f32 v21, v2;
	v29 =	vmax.f32 v22, $0.0e+00;
	v30 =	vmax.f32 v15, $0.0e+00  }
0x113: {  	v31 =	vmax.f32 v23, $0.0e+00;
	v32 =	vmax.f32 v24, $0.0e+00;
	v33 =	vmax.f32 v18, $0.0e+00  }
0x114: {  	v49 =	vmax.f32 v16, $0.0e+00;
	v35 =	vmax.f32 v25, $0.0e+00;
	v50 =	vmax.f32 v20, $0.0e+00  }
0x115: {  	v28 =	vld [tilespmem:s31+$0x18C80];
	v51 =	vmax.f32 v17, $0.0e+00;
	v53 =	vmax.f32 v19, $0.0e+00;
	v54 =	vmax.f32 v14, $0.0e+00  }
0x116: {  	v27 =	vld.idx.msk [tilespmem:v26+s16+$0x0], $0xffff;
	v32 =	vmin.f32 v32, $3.100000000e+01;
	v30 =	vmin.f32 v30, $3.100000000e+01;
	v34 =	vmin.f32 v49, $3.100000000e+01  }
0x117: {  	v33 =	vmin.f32 v33, $3.100000000e+01;
	v37 =	vmin.f32 v51, $3.100000000e+01;
	v30 =	vtrunc.f32 v30  }
0x118: {  	v60 =	vld [tilespmem:s31+$0x16780];
	v35 =	vmin.f32 v35, $3.100000000e+01;
	v32 =	vtrunc.f32 v32;
	v34 =	vtrunc.f32 v34  }
0x119: {  	v26 =	vld.idx.msk [tilespmem:v26+s15+$0x0], $0xffff;
	v57 =	vmin.f32 v54, $3.100000000e+01;
	v33 =	vtrunc.f32 v33;
	v37 =	vtrunc.f32 v37  }
0x11a: {  	v41 =	vld.idx.msk [tilespmem:v55+s15+$0x0], $0xffff;
	v39 =	vmin.f32 v53, $3.100000000e+01;
	v35 =	vtrunc.f32 v35;
	v36 =	vtrunc.f32 v57  }
0x11b: {  	v27 =	vsub.f32 v28, v27;
	v28 =	vmin.f32 v29, $3.100000000e+01;
	v29 =	vmin.f32 v31, $3.100000000e+01;
	v31 =	vld [tilespmem:s26+$0xC40]  }
0x11c: {  	v52 =	vmax.f32 v21, $0.0e+00;
	v54 =	vcvt.f32.s32 v30;
	v34 =	vcvt.f32.s32 v34  }
0x11d: {  	s25 =	simm.s32 $0x17400;
	v38 =	vmin.f32 v52, $3.100000000e+01;
	v33 =	vcvt.f32.s32 v33;
	v63 =	vcvt.f32.s32 v37  }
0x11e: {  	v43 =	vld [tilespmem:s25+$0xC40];
	v36 =	vcvt.f32.s32 v36;
	v38 =	vtrunc.f32 v38;
	v30 =	vand.u32 $0xFFFF0000, v26  }
0x11f: {  	v58 =	vld [tilespmem:s31+$0x14280];
	v29 =	vtrunc.f32 v29;
	v56 =	vtrunc.f32 v28;
	v28 =	vmin.f32 v50, $3.100000000e+01  }
0x120: {  	v61 =	vld [tilespmem:s25+$0x0];
	v30 =	vsub.f32 v60, v30;
	v38 =	vcvt.f32.s32 v38;
	v60 =	vshll.u32 v41, $0x10  }
0x121: {  	s23 =	simm.s32 $0x13640;
	v53 =	vld.idx.msk [tilespmem:v55+s16+$0x0], $0xffff;
	v41 =	vand.u32 $0xFFFF0000, v41;
	v33 =	vshll.u32 v33, $0xA;
	v59 =	vtrunc.f32 v28  }
0x122: {  	v49 =	vshll.u32 v54, $0xA;
	v28 =	vmul.f32 v27, v27;
	v55 =	vcvt.f32.s32 v59;
	v59 =	vld [tilespmem:s23+$0xFFFFF3C0]  }
0x123: {  	v34 =	vshll.u32 v34, $0x5;
	v27 =	vtrunc.f32 v39;
	v42 =	vcvt.f32.s32 v56;
	v52 =	vld.idx.msk [tilespmem:v31+s16+$0x0], $0xffff  }
0x124: {  	v40 =	vld [tilespmem:s23+$0x0];
	v47 =	vcvt.f32.s32 v29;
	v29 =	vshll.u32 v26, $0x10;
	v26 =	vcvt.f32.s32 v32  }
0x125: {  	s24 =	simm.s32 $0x14F00;
	v62 =	vsub.f32 v58, v29;
	v29 =	vcvt.f32.s32 v35;
	v27 =	vcvt.f32.s32 v27;
	v31 =	vld.idx.msk [tilespmem:v31+s15+$0x0], $0xffff  }
0x126: {  	v57 =	vld [tilespmem:s24+$0xC40];
	v45 =	vmul.f32 v30, v30;
	v30 =	vsub.f32 v61, v53;
	v35 =	vshll.u32 v38, $0xA  }
0x127: {  	p1 =	seq.s32 s14, $0x10;
	v61 =	vld [tilespmem:s24+$0x0];
	v56 =	vmul.f32 v62, v62;
	v51 =	vshll.u32 v55, $0xA;
	v62 =	vshll.u32 v63, $0x5  }
.Ltmp2:
0x128: {  	v63 =	vadd.s32 v33, v62;
	v39 =	vsub.f32 v59, v60;
	v32 =	vsub.f32 v43, v52;
	(pc) =	sbr.rel @p1 .LBB2_5-.Ltmp2, $4  }
0x129: {  	v52 =	vshll.u32 v36, $0x5;
	v36 =	vshll.u32 v27, $0x5;
	v27 =	vadd.s32 v49, v34  }
0x12a: {  	v58 =	vshll.u32 v31, $0x10;
	v31 =	vand.u32 $0xFFFF0000, v31;
	v33 =	vadd.s32 v47, v27  }
0x12b: {  	s7 =	simm.s32 $0x0;
	v34 =	vadd.f32 v45, v56;
	v38 =	vsub.f32 v57, v31;
	v31 =	vadd.s32 v42, v63  }
0x12c: {  	s3 =	simm.s32 $0x3;
	s0 =	simm.s32 $0x1D10;
	s1 =	simm.s32 $0x10;
	v37 =	vsub.f32 v40, v58;
	v40 =	vsub.f32 v61, v41;
	v41 =	vadd.s32 v51, v52  }
.LBB2_4:
0x12d: {  	v27 =	vld [tilespmem:s0+$0x0];
	v32 =	vmul.f32 v32, v32;
	v35 =	vadd.s32 v35, v36;
	v36 =	vadd.s32 v26, v41;
	s21 =	sadd.s32 $0x10, s21  }
0x12e: {  	v37 =	vmul.f32 v37, v37;
	v38 =	vmul.f32 v38, v38;
	v34 =	vadd.f32 v34, v28;
	v26 =	vld [tilespmem:s21+$0x0]  }
0x12f: {  	v28 =	vmul.f32 v39, v39;
	v39 =	vmul.f32 v40, v40;
	v35 =	vadd.s32 v29, v35;
	v40 =	vld.idx.msk [tilespmem:v33+s16+$0x0], $0xffff  }
0x130: {  	v29 =	vadd.f32 v38, v37;
	v37 =	vshra.s32 v34, $0x1;
	v38 =	vmul.f32 $5.000000000e-01, v34;
	v41 =	vld.idx.msk [tilespmem:v31+s16+$0x0], $0xffff  }
0x131: {  	v30 =	vmul.f32 v30, v30;
	v39 =	vadd.f32 v39, v28;
	v37 =	vsub.s32 $0x5F3759DF, v37;
	v33 =	vld.idx.msk [tilespmem:v33+s15+$0x0], $0xffff  }
0x132: {  	v32 =	vadd.f32 v29, v32;
	v38 =	vmul.f32 v37, v38;
	v42 =	vld.idx.msk [tilespmem:v36+s16+$0x0], $0xffff  }
0x133: {  	v28 =	vmul.f32 v27, v10;
	v29 =	vmul.f32 v27, v13;
	v39 =	vadd.f32 v39, v30;
	v31 =	vld.idx.msk [tilespmem:v31+s15+$0x0], $0xffff  }
0x134: {  	v30 =	vshra.s32 v32, $0x1;
	v43 =	vmul.f32 $5.000000000e-01, v32;
	v38 =	vmul.f32 v37, v38;
	v44 =	vld.idx.msk [tilespmem:v35+s16+$0x0], $0xffff  }
0x135: {  	v45 =	vshra.s32 v39, $0x1;
	v46 =	vmul.f32 $5.000000000e-01, v39;
	v47 =	vsub.s32 $0x5F3759DF, v30;
	v36 =	vld.idx.msk [tilespmem:v36+s15+$0x0], $0xffff  }
0x136: {  	v45 =	vsub.s32 $0x5F3759DF, v45;
	v43 =	vmul.f32 v47, v43;
	v38 =	vsub.f32 $1.500000000e+00, v38;
	v35 =	vld.idx.msk [tilespmem:v35+s15+$0x0], $0xffff  }
0x137: {  	v30 =	vmul.f32 v26, v11;
	v46 =	vmul.f32 v45, v46  }
0x138: {  	v23 =	vsub.f32 v23, v40;
	v43 =	vmul.f32 v47, v43;
	v37 =	vmul.f32 v37, v38  }
0x139: {  	v22 =	vsub.f32 v22, v41;
	v40 =	vshll.u32 v33, $0x10;
	v38 =	vmul.f32 v45, v46  }
0x13a: {  	v33 =	vand.u32 $0xFFFF0000, v33;
	v24 =	vsub.f32 v24, v42;
	v41 =	vshll.u32 v31, $0x10  }
0x13b: {  	v31 =	vand.u32 $0xFFFF0000, v31;
	v25 =	vsub.f32 v25, v44;
	v42 =	vshll.u32 v36, $0x10  }
0x13c: {  	v15 =	vsub.f32 v15, v40;
	v36 =	vand.u32 $0xFFFF0000, v36;
	v44 =	vshll.u32 v35, $0x10  }
0x13d: {  	v16 =	vsub.f32 v16, v33;
	v18 =	vsub.f32 v18, v41;
	v35 =	vand.u32 $0xFFFF0000, v35  }
0x13e: {  	v33 =	vmul.f32 v37, v34;
	v17 =	vsub.f32 v17, v31;
	v20 =	vsub.f32 v20, v42  }
0x13f: {  	v23 =	vmul.f32 v23, v23;
	v22 =	vmul.f32 v22, v22;
	v21 =	vsub.f32 v21, v44  }
0x140: {  	v15 =	vmul.f32 v15, v15;
	v25 =	vmul.f32 v25, v25;
	v19 =	vsub.f32 v19, v35  }
0x141: {  	v16 =	vmul.f32 v16, v16;
	v14 =	vsub.f32 v14, v36;
	v18 =	vmul.f32 v18, v18  }
0x142: {  	v31 =	vsub.f32 $1.500000000e+00, v43;
	v21 =	vmul.f32 v21, v21;
	v19 =	vmul.f32 v19, v19  }
0x143: {  	v34 =	vsub.f32 $1.500000000e+00, v38;
	v17 =	vmul.f32 v17, v17;
	v20 =	vmul.f32 v20, v20  }
0x144: {  	v31 =	vmul.f32 v47, v31;
	v14 =	vmul.f32 v14, v14;
	v19 =	vadd.f32 v19, v21  }
0x145: {  	v15 =	vadd.f32 v16, v15;
	v17 =	vadd.f32 v17, v18;
	v21 =	vmul.f32 v45, v34  }
0x146: {  	v18 =	vmul.f32 v24, v24;
	v14 =	vadd.f32 v14, v20;
	v16 =	vadd.f32 v19, v25  }
0x147: {  	v20 =	vmul.f32 v31, v32;
	v19 =	vmul.f32 v21, v39;
	v21 =	vadd.f32 v15, v23  }
0x148: {  	v14 =	vadd.f32 v14, v18;
	v15 =	vshra.s32 v16, $0x1;
	v23 =	vmul.f32 $5.000000000e-01, v16  }
0x149: {  	v17 =	vadd.f32 v17, v22;
	v18 =	vshra.s32 v21, $0x1;
	v15 =	vsub.s32 $0x5F3759DF, v15  }
0x14a: {  	v24 =	vmul.f32 $5.000000000e-01, v14;
	v22 =	vmul.f32 v15, v23;
	v23 =	vshra.s32 v14, $0x1  }
0x14b: {  	s22 =	sadd.s32 $0x10, s22;
	v31 =	vmul.f32 $5.000000000e-01, v17;
	v25 =	vshra.s32 v17, $0x1;
	v23 =	vsub.s32 $0x5F3759DF, v23  }
0x14c: {  	v25 =	vsub.s32 $0x5F3759DF, v25;
	v22 =	vmul.f32 v15, v22;
	v24 =	vmul.f32 v23, v24;
	v32 =	vld [tilespmem:s22+$0x0]  }
0x14d: {  	v31 =	vmul.f32 v25, v31;
	v34 =	vmul.f32 $5.000000000e-01, v21;
	v18 =	vsub.s32 $0x5F3759DF, v18  }
0x14e: {  	v0 =	vadd.f32 v19, v0;
	v19 =	vsub.f32 $1.500000000e+00, v22;
	v22 =	vmul.f32 v23, v24  }
0x14f: {  	v24 =	vmul.f32 v25, v31;
	v31 =	vmul.f32 v18, v34  }
0x150: {  	v0 =	vadd.f32 v20, v0;
	v15 =	vmul.f32 v15, v19;
	v19 =	vsub.f32 $1.500000000e+00, v22  }
0x151: {  	v22 =	vsub.f32 $1.500000000e+00, v24;
	v24 =	vmul.f32 v18, v31;
	v20 =	vmul.f32 v32, v12  }
0x152: {  	v0 =	vadd.f32 v33, v0;
	v15 =	vmul.f32 v15, v16;
	v16 =	vmul.f32 v23, v19  }
0x153: {  	s2 =	sand.u32 $0xFFFFFFF0, s1;
	v31 =	vmul.f32 v26, v8;
	v19 =	vmul.f32 v27, v7;
	v23 =	vsub.f32 $1.500000000e+00, v24  }
0x154: {  	v0 =	vadd.f32 v15, v0;
	v14 =	vmul.f32 v16, v14;
	v15 =	vmul.f32 v25, v22;
	v33 =	vld [tilespmem:s2+$0x1B180]  }
0x155: {  	v25 =	vmul.f32 v27, v4;
	v27 =	vmul.f32 v32, v9  }
0x156: {  	v16 =	vmul.f32 v18, v23;
	v0 =	vadd.f32 v14, v0;
	v14 =	vmul.f32 v15, v17  }
0x157: {  	v34 =	vmul.f32 v26, v5;
	v22 =	vadd.f32 v28, v2;
	v23 =	vadd.f32 v29, v2  }
0x158: {  	v15 =	vadd.f32 v30, v2;
	v0 =	vadd.f32 v14, v0;
	v14 =	vmul.f32 v16, v21  }
0x159: {  	v24 =	vadd.f32 v19, v2;
	v21 =	vmul.f32 v32, v6;
	v16 =	vadd.f32 v20, v2  }
0x15a: {  	v19 =	vmul.f32 v26, v1;
	v18 =	vadd.f32 v31, v2;
	v0 =	vadd.f32 v14, v0  }
0x15b: {  	v26 =	vmul.f32 v32, v3;
	v25 =	vadd.f32 v25, v2;
	v17 =	vadd.f32 v27, v2  }
0x15c: {  	v20 =	vadd.f32 v34, v2;
	v14 =	vadd.f32 v21, v2;
	v27 =	vld.idx.msk [tilespmem:v33+s16+$0x0], $0xffff  }
0x15d: {  	v21 =	vadd.f32 v19, v2;
	v19 =	vadd.f32 v26, v2;
	v28 =	vld [tilespmem:s2+$0x18C80]  }
0x15e: {  	v30 =	vmax.f32 v23, $0.0e+00;
	v29 =	vmax.f32 v15, $0.0e+00;
	v26 =	vmax.f32 v22, $0.0e+00  }
0x15f: {  	v31 =	vmax.f32 v24, $0.0e+00;
	v32 =	vmax.f32 v18, $0.0e+00;
	v34 =	vmax.f32 v16, $0.0e+00  }
0x160: {  	v35 =	vmax.f32 v25, $0.0e+00;
	v37 =	vmax.f32 v17, $0.0e+00;
	v36 =	vmax.f32 v20, $0.0e+00  }
0x161: {  	s26 =	sadd.s32 $0x10, s26;
	v38 =	vmax.f32 v21, $0.0e+00;
	v39 =	vmax.f32 v19, $0.0e+00;
	v40 =	vmax.f32 v14, $0.0e+00  }
0x162: {  	v26 =	vmin.f32 v26, $3.100000000e+01;
	v41 =	vld [tilespmem:s26+$0xC40];
	v27 =	vsub.f32 v28, v27;
	v28 =	vmin.f32 v30, $3.100000000e+01  }
0x163: {  	v31 =	vmin.f32 v31, $3.100000000e+01;
	v29 =	vmin.f32 v29, $3.100000000e+01;
	v34 =	vmin.f32 v34, $3.100000000e+01;
	v30 =	vld [tilespmem:s26+$0x0]  }
0x164: {  	s25 =	sadd.s32 $0x10, s25;
	v32 =	vmin.f32 v32, $3.100000000e+01;
	v37 =	vmin.f32 v37, $3.100000000e+01;
	v42 =	vtrunc.f32 v28  }
0x165: {  	v29 =	vtrunc.f32 v29;
	v26 =	vtrunc.f32 v26;
	v28 =	vmin.f32 v35, $3.100000000e+01;
	v43 =	vld [tilespmem:s25+$0xC40]  }
0x166: {  	v31 =	vtrunc.f32 v31;
	v34 =	vtrunc.f32 v34;
	v35 =	vmin.f32 v36, $3.100000000e+01;
	v33 =	vld.idx.msk [tilespmem:v33+s15+$0x0], $0xffff  }
0x167: {  	v32 =	vtrunc.f32 v32;
	v37 =	vtrunc.f32 v37;
	v40 =	vmin.f32 v40, $3.100000000e+01;
	v36 =	vld [tilespmem:s2+$0x14280]  }
0x168: {  	v38 =	vmin.f32 v38, $3.100000000e+01;
	v45 =	vtrunc.f32 v28;
	v35 =	vtrunc.f32 v35;
	v44 =	vld [tilespmem:s2+$0x16780]  }
0x169: {  	v39 =	vmin.f32 v39, $3.100000000e+01;
	v38 =	vtrunc.f32 v38;
	v40 =	vtrunc.f32 v40;
	v46 =	vld [tilespmem:s25+$0x0]  }
0x16a: {  	v28 =	vmul.f32 v27, v27;
	v27 =	vtrunc.f32 v39;
	v47 =	vld.idx.msk [tilespmem:v41+s16+$0x0], $0xffff  }
0x16b: {  	v48 =	vcvt.f32.s32 v26;
	v42 =	vcvt.f32.s32 v42;
	v39 =	vld.idx.msk [tilespmem:v30+s16+$0x0], $0xffff  }
0x16c: {  	v50 =	vcvt.f32.s32 v29;
	v34 =	vcvt.f32.s32 v34;
	v49 =	vshll.u32 v33, $0x10;
	v41 =	vld.idx.msk [tilespmem:v41+s15+$0x0], $0xffff  }
0x16d: {  	v26 =	vcvt.f32.s32 v31;
	v31 =	vcvt.f32.s32 v32;
	v51 =	vld.idx.msk [tilespmem:v30+s15+$0x0], $0xffff;
	v30 =	vand.u32 $0xFFFF0000, v33  }
0x16e: {  	v29 =	vcvt.f32.s32 v45;
	v32 =	vsub.f32 v36, v49;
	v33 =	vcvt.f32.s32 v37  }
0x16f: {  	v35 =	vcvt.f32.s32 v35;
	v36 =	vcvt.f32.s32 v40;
	v30 =	vsub.f32 v44, v30  }
0x170: {  	s23 =	sadd.s32 $0x10, s23;
	v27 =	vcvt.f32.s32 v27;
	v37 =	vcvt.f32.s32 v38  }
0x171: {  	s1 =	sadd.s32 $0x10, s1;
	s24 =	sadd.s32 $0x10, s24;
	v40 =	vmul.f32 v32, v32;
	v44 =	vmul.f32 v30, v30;
	v38 =	vld [tilespmem:s23+$0x0]  }
0x172: {  	p1 =	seq.s32 s14, s1;
	v32 =	vsub.f32 v43, v47;
	v30 =	vsub.f32 v46, v39;
	v45 =	vshll.u32 v41, $0x10;
	v39 =	vld [tilespmem:s24+$0xC40]  }
0x173: {  	v41 =	vand.u32 $0xFFFF0000, v41;
	v46 =	vshll.u32 v51, $0x10;
	v47 =	vand.u32 $0xFFFF0000, v51;
	v43 =	vld [tilespmem:s23+$0xFFFFF3C0]  }
0x174: {  	v50 =	vshll.u32 v50, $0xA;
	v31 =	vshll.u32 v31, $0xA;
	v34 =	vshll.u32 v34, $0x5;
	v49 =	vld [tilespmem:s24+$0x0]  }
.Ltmp3:
0x175: {  	v52 =	vshll.u32 v36, $0x5;
	v33 =	vshll.u32 v33, $0x5;
	v51 =	vshll.u32 v35, $0xA;
	(pc) =	sbr.rel @!p1 .LBB2_4-.Ltmp3, $4  }
0x176: {  	v36 =	vshll.u32 v27, $0x5;
	v27 =	vadd.s32 v50, v34;
	v35 =	vshll.u32 v37, $0xA  }
0x177: {  	v31 =	vadd.s32 v31, v33;
	v33 =	vadd.s32 v42, v27;
	v34 =	vadd.f32 v44, v40  }
0x178: {  	v31 =	vadd.s32 v48, v31;
	v37 =	vsub.f32 v38, v45;
	v38 =	vsub.f32 v39, v41  }
0x179: {  	s0 =	sadd.s32 $0x10, s0;
	v41 =	vadd.s32 v51, v52;
	v39 =	vsub.f32 v43, v46;
	v40 =	vsub.f32 v49, v47  }
.LBB2_5:
0x17a: {  	_ =	sdelay $0x3  }
0x17b: {  	v1 =	vmul.f32 v32, v32;
	v2 =	vadd.s32 v35, v36;
	v11 =	vld.idx.msk [tilespmem:v31+s16+$0x0], $0xffff  }
0x17c: {  	v5 =	vmul.f32 v38, v38;
	v6 =	vadd.f32 v34, v28;
	v12 =	vld.idx.msk [tilespmem:v33+s15+$0x0], $0xffff;
	v4 =	vmul.f32 v37, v37  }
0x17d: {  	v3 =	vadd.s32 v26, v41;
	v57 =	vld.idx.msk [tilespmem:v31+s15+$0x0], $0xffff;
	v7 =	vmul.f32 v39, v39;
	v8 =	vmul.f32 v40, v40  }
0x17e: {  	v53 =	vshra.s32 v6, $0x1;
	v10 =	vmul.f32 $5.000000000e-01, v6;
	v4 =	vadd.f32 v5, v4  }
0x17f: {  	v54 =	vmul.f32 v30, v30;
	v7 =	vadd.f32 v8, v7;
	v5 =	vsub.s32 $0x5F3759DF, v53  }
0x180: {  	v2 =	vadd.s32 v29, v2;
	v55 =	vmul.f32 v5, v10;
	v1 =	vadd.f32 v4, v1  }
0x181: {  	v7 =	vadd.f32 v7, v54;
	v11 =	vsub.f32 v22, v11;
	v63 =	vshll.u32 v12, $0x10  }
0x182: {  	v30 =	vshll.u32 v57, $0x10;
	v12 =	vand.u32 $0xFFFF0000, v12;
	v8 =	vand.u32 $0xFFFF0000, v57  }
0x183: {  	v9 =	vld.idx.msk [tilespmem:v33+s16+$0x0], $0xffff;
	v4 =	vmul.f32 v5, v55;
	v15 =	vsub.f32 v15, v63;
	v18 =	vsub.f32 v18, v30  }
0x184: {  	v56 =	vld.idx.msk [tilespmem:v3+s16+$0x0], $0xffff;
	v12 =	vsub.f32 v16, v12;
	v8 =	vsub.f32 v17, v8;
	v13 =	vshra.s32 v1, $0x1  }
0x185: {  	v3 =	vld.idx.msk [tilespmem:v3+s15+$0x0], $0xffff;
	v58 =	vmul.f32 $5.000000000e-01, v1;
	v59 =	vshra.s32 v7, $0x1;
	v60 =	vmul.f32 $5.000000000e-01, v7  }
0x186: {  	v27 =	vld.idx.msk [tilespmem:v2+s16+$0x0], $0xffff;
	v11 =	vmul.f32 v11, v11;
	v13 =	vsub.s32 $0x5F3759DF, v13;
	v15 =	vmul.f32 v15, v15  }
0x187: {  	v2 =	vld.idx.msk [tilespmem:v2+s15+$0x0], $0xffff;
	v4 =	vsub.f32 $1.500000000e+00, v4;
	v37 =	vmul.f32 v18, v18;
	v12 =	vmul.f32 v12, v12  }
0x188: {  	v28 =	vsub.s32 $0x5F3759DF, v59;
	v8 =	vmul.f32 v8, v8;
	v26 =	vmul.f32 v13, v58  }
0x189: {  	v61 =	vsub.f32 v23, v9;
	v29 =	vmul.f32 v28, v60;
	v4 =	vmul.f32 v5, v4  }
0x18a: {  	v10 =	vsub.f32 v24, v56;
	v32 =	vshll.u32 v3, $0x10;
	v3 =	vand.u32 $0xFFFF0000, v3  }
0x18b: {  	v5 =	vmul.f32 v61, v61;
	v8 =	vadd.f32 v8, v37;
	v12 =	vadd.f32 v12, v15  }
0x18c: {  	v26 =	vmul.f32 v13, v26;
	v33 =	vshll.u32 v2, $0x10;
	v2 =	vand.u32 $0xFFFF0000, v2  }
0x18d: {  	v62 =	vmul.f32 v28, v29;
	v35 =	vsub.f32 v21, v33;
	v2 =	vsub.f32 v19, v2  }
0x18e: {  	v31 =	vsub.f32 v25, v27;
	v34 =	vsub.f32 v20, v32;
	v4 =	vmul.f32 v4, v6  }
0x18f: {  	v3 =	vsub.f32 v14, v3;
	v16 =	vmul.f32 v35, v35;
	v2 =	vmul.f32 v2, v2  }
0x190: {  	v5 =	vadd.f32 v12, v5;
	v8 =	vadd.f32 v8, v11;
	v36 =	vmul.f32 v31, v31  }
0x191: {  	v6 =	vmul.f32 v34, v34;
	v3 =	vmul.f32 v3, v3;
	v2 =	vadd.f32 v2, v16  }
0x192: {  	v38 =	vsub.f32 $1.500000000e+00, v26;
	v9 =	vsub.f32 $1.500000000e+00, v62  }
0x193: {  	v39 =	vmul.f32 v10, v10;
	v3 =	vadd.f32 v3, v6;
	v2 =	vadd.f32 v2, v36  }
0x194: {  	v43 =	vshra.s32 v5, $0x1;
	v46 =	vshra.s32 v8, $0x1;
	v47 =	vmul.f32 $5.000000000e-01, v8  }
0x195: {  	v3 =	vadd.f32 v3, v39;
	v40 =	vshra.s32 v2, $0x1;
	v41 =	vmul.f32 $5.000000000e-01, v2  }
0x196: {  	v13 =	vmul.f32 v13, v38;
	v9 =	vmul.f32 v28, v9;
	v42 =	vsub.s32 $0x5F3759DF, v40  }
0x197: {  	v44 =	vshra.s32 v3, $0x1;
	v45 =	vmul.f32 $5.000000000e-01, v3;
	v10 =	vmul.f32 v42, v41  }
0x198: {  	v7 =	vmul.f32 v9, v7;
	v1 =	vmul.f32 v13, v1;
	v11 =	vsub.s32 $0x5F3759DF, v44  }
0x199: {  	v13 =	vsub.s32 $0x5F3759DF, v46;
	v12 =	vmul.f32 v11, v45;
	v10 =	vmul.f32 v42, v10  }
0x19a: {  	v48 =	vmul.f32 $5.000000000e-01, v5;
	v9 =	vsub.s32 $0x5F3759DF, v43;
	v14 =	vmul.f32 v13, v47  }
0x19b: {  	v0 =	vadd.f32 v7, v0;
	v50 =	vmul.f32 v11, v12;
	v49 =	vsub.f32 $1.500000000e+00, v10  }
0x19c: {  	v52 =	vmul.f32 v9, v48;
	v51 =	vmul.f32 v13, v14  }
0x19d: {  	v0 =	vadd.f32 v1, v0;
	v54 =	vsub.f32 $1.500000000e+00, v50;
	v53 =	vmul.f32 v42, v49  }
0x19e: {  	v56 =	vmul.f32 v9, v52;
	v55 =	vsub.f32 $1.500000000e+00, v51  }
0x19f: {  	v0 =	vadd.f32 v4, v0;
	v57 =	vmul.f32 v11, v54;
	v1 =	vmul.f32 v53, v2  }
0x1a0: {  	v58 =	vsub.f32 $1.500000000e+00, v56  }
0x1a1: {  	v60 =	vmul.f32 v13, v55;
	v59 =	vmul.f32 v57, v3;
	v0 =	vadd.f32 v1, v0;
	_ =	sdelay $0x1  }
0x1a2: {  	v62 =	vmul.f32 v9, v58;
	v61 =	vmul.f32 v60, v8;
	v0 =	vadd.f32 v59, v0;
	_ =	sdelay $0x1  }
0x1a3: {  	v63 =	vmul.f32 v62, v5;
	v0 =	vadd.f32 v61, v0;
	_ =	sdelay $0x1  }
0x1a4: {  	v0 =	vadd.f32 v63, v0;
	_ =	sdelay $0x1  }
0x1a5: {  	v0 =	vmul.f32 $3.125000000e-02, v0;
	_ =	sdelay $0x1  }
0x1a6: {  	s0 =	rddreg [dreg:$0xa];
	s1 =	simm.s32 $0x12980;
	[tilespmem:$0x12980] =	vst v0  }
0x1a7: {  	[hbm4b:s0+s7] =	stream.linear.scatter [tilespmem:s1], [sflag:$0x3], $0x80, $0x38;
	[tilespmem:$0x1BE00] =	vst v63  }
0x1a8: {  	s2 =	rddreg [dreg:$0xc];
	_ =	swait.ge [sflag:s3], $0x80  }
0x1a9: {  	s2 =	sadd.s32 $0x1, s2;
	s31 =	rddreg [dreg:$0xb]  }
0x1aa: {  	p1 =	seq.s32 s2, s31  }
.Ltmp4:
0x1ab: {  	_ = 	snop;
	(pc) =	sbr.rel @!p1 .LBB2_1-.Ltmp4, $3  }
0x1ac: {  	_ =	sdelay $0x1  }
0x1ad: {  	[sflag:s3] =	ssyncset.done $0x0  }
0x1ae: {  	[sflag:s3] =	ssyncadd.s32 $0xFFFFFF80  }
0x1af: {  	_ =	sfence.sel $0x180000  }
0x1b0: {  	[bflag:$0x0] =	sbarrier.arrive $0xFFFF  }
0x1b1: {  	_ =	strace $0x90000047  }
0x1b2: {  	s0 =	stileid.u32;
	[bflag:$0x2] =	sbarrier.arrive $0xFFFF  }
0x1b3: {  	p0 =	sne.s32 s0, $0x0;
	s0 =	rddreg [dreg:$0x1]  }
0x1b4: {  	s0 =	sadd.s32 @!p0 $0x100000, s0  }
0x1b5: {  	[sflag:s0] =	ssyncadd.tile.s32 @!p0 $0x1;
	_ =	shalt  }
.Lfunc_end2:
_tile_overlayer_lowered:
.L_overlay_start_2:
0x1b6: {  	(tag) =	ssettag $0x2  }
0x1b7: {  	s0 =	rddreg [dreg:$0x0];
	s2 =	stileid.u32  }
0x1b8: {  	s1 =	rddreg [dreg:$0x1];
	p0 =	sne.s32 s2, $0x0  }
0x1b9: {  	s3 =	rddreg [dreg:$0x2];
	[bflag:$0x3] =	sbarrier.arrive $0xFFFF;
	s2 =	simm.s32 @!p0 $0x1C03  }
0x1ba: {  	[timem:s3], [sflag:s2] =	dma.local @!p0 [hbm:s0], s1  }
0x1bb: {  	s0 =	simm.s32 @!p0 $0x3  }
0x1bc: {  	_ =	swait.ge @!p0 [sflag:s0], s1  }
0x1bd: {  	s1 =	ssub.s32 @!p0 $0x0, s1;
	[sflag:s0] =	ssyncset.done @!p0 $0x0  }
0x1be: {  	[sflag:s0] =	ssyncadd.s32 @!p0 s1  }
0x1bf: {  	[bflag:$0x3] =	sbarrier.arrive $0xFFFF  }
0x1c0: {  	_ =	shalt  }

</sc_bundles>
